<compile_context>
chip_gen: v7x
topology: tpu7x:2x2x1
jax: 0.10.2.dev20260603
libtpu: 0.0.44.dev20260713+nightly
codegen_flags: <defaults>
</compile_context>

<pallas_src>
import jax
import jax.numpy as jnp
from jax import lax
from jax.experimental import pallas as pl
from jax.experimental.pallas import tpu as pltpu
from jax.experimental.pallas import tpu_sc as plsc

BATCH = 4096
FIELDS = 26
EMBED_DIM = 16
NUM_CORES = 2
NUM_SUBCORES = 16
NUM_TILES = NUM_CORES * NUM_SUBCORES
B_PER_TILE = BATCH // NUM_TILES
EMB_ROWS = FIELDS * EMBED_DIM
TC_BLOCK = 512


def _first_order_body(sparse_hbm, w_hbm, out_hbm, idx_v, gath_v, out_v,
                      sem_g):
    wid = lax.axis_index("s") * NUM_CORES + lax.axis_index("c")
    b0 = wid * B_PER_TILE

    pltpu.sync_copy(sparse_hbm.at[:, pl.ds(b0, B_PER_TILE)], idx_v)
    gather_cps = []
    for f in range(FIELDS):
        gather_cps.append(
            pltpu.async_copy(w_hbm.at[0].at[idx_v.at[f]], gath_v.at[f],
                             sem_g))
    for cp in gather_cps:
        cp.wait()

    def a_body(c, _):
        col = c * 16
        first = gath_v[0, pl.ds(col, 16)]
        for f in range(1, FIELDS):
            first = first + gath_v[f, pl.ds(col, 16)]
        out_v[0, pl.ds(col, 16)] = first
        return 0

    lax.fori_loop(0, B_PER_TILE // 16, a_body, 0)

    pltpu.sync_copy(out_v, out_hbm.at[wid])


def _first_order(sparse_t, w_t):
    run = pl.kernel(
        _first_order_body,
        out_type=jax.ShapeDtypeStruct((NUM_TILES, 1, B_PER_TILE), jnp.float32),
        mesh=plsc.VectorSubcoreMesh(core_axis_name="c", subcore_axis_name="s",
                                    num_cores=NUM_CORES,
                                    num_subcores=NUM_SUBCORES),
        scratch_types=[
            pltpu.VMEM((FIELDS, B_PER_TILE), jnp.int32),
            pltpu.VMEM((FIELDS, B_PER_TILE), jnp.float32),
            pltpu.VMEM((1, B_PER_TILE), jnp.float32),
            pltpu.SemaphoreType.DMA,
        ],
        compiler_params=pltpu.CompilerParams(needs_layout_passes=False),
    )
    return run(sparse_t, w_t)


def _second_order_body(e_ref, o_ref):
    e = e_ref[...]
    r = e.reshape(FIELDS, EMBED_DIM, TC_BLOCK)
    s = jnp.sum(r, axis=0)
    ssq = jnp.sum(e * e, axis=0, keepdims=True)
    sos = jnp.sum(s * s, axis=0, keepdims=True)
    o_ref[...] = 0.5 * (sos - ssq)


def _second_order(embed_t):
    return pl.pallas_call(
        _second_order_body,
        grid=(BATCH // TC_BLOCK,),
        in_specs=[pl.BlockSpec((EMB_ROWS, TC_BLOCK), lambda i: (0, i))],
        out_specs=pl.BlockSpec((1, TC_BLOCK), lambda i: (0, i)),
        out_shape=jax.ShapeDtypeStruct((1, BATCH), jnp.float32),
    )(embed_t)


@jax.jit
def kernel(sparse_inputs, embed_inputs, w):
    sparse_t = sparse_inputs.T
    embed_t = jnp.transpose(embed_inputs, (1, 2, 0)).reshape(EMB_ROWS, BATCH)
    w_t = w.T
    first = _first_order(sparse_t, w_t).reshape(BATCH)
    second = _second_order(embed_t).reshape(BATCH)
    return (first + second).reshape(BATCH, 1)

# --- scband reference (transcript-rebuilt; emitter-appended) ---
"""Pipeline reference for scband-my-fm-13632226197885 (READ-ONLY COPY).

The authoritative reference and input builder live on the scoring server;
editing this copy changes nothing except your own understanding.
"""

import jax, jax.numpy as jnp
import numpy as np

FEATURE_LENGTH = 1000000
BATCH = 4096
FIELDS = 26
EMBED_DIM = 16


def setup_inputs(seed: int = 0) -> dict:
    key = jax.random.key(seed)
    k1, k2, k3 = jax.random.split(key, 3)
    sparse_inputs = jax.random.randint(k1, (BATCH, FIELDS), 0, FEATURE_LENGTH, dtype=jnp.int64 if jax.config.jax_enable_x64 else jnp.int32).astype(jnp.int32)
    embed_inputs = jax.random.normal(k2, (BATCH, FIELDS, EMBED_DIM), dtype=jnp.float32)
    # learned first-order weight table, shape (feature_length, 1), random_normal init
    w = jax.random.normal(k3, (FEATURE_LENGTH, 1), dtype=jnp.float32) * 0.05
    return {"sparse_inputs": sparse_inputs, "embed_inputs": embed_inputs, "w": w}


def reference(sparse_inputs, embed_inputs, w):
    # first order: embedding lookup into w then sum over fields
    # tf.nn.embedding_lookup(w, sparse_inputs) -> [B, F, 1]
    first_order = jnp.sum(jnp.take(w, sparse_inputs, axis=0), axis=1)  # [B, 1]
    # second order (FM cross term)
    square_sum = jnp.square(jnp.sum(embed_inputs, axis=1, keepdims=True))  # [B, 1, D]
    sum_square = jnp.sum(jnp.square(embed_inputs), axis=1, keepdims=True)  # [B, 1, D]
    second_order = 0.5 * jnp.sum(square_sum - sum_square, axis=2)  # [B, 1]
    return first_order + second_order

if __name__ == "__main__":
    import jax
    _d = setup_inputs()
    print(jax.jit(kernel)(*tuple(_d.values())))

</pallas_src>

<mosaic_0001>
#map = affine_map<(d0, d1) -> (0, 0)>
#map1 = affine_map<(d0, d1) -> (0, 0, 0)>
module attributes {stable_mosaic.version = 14 : i64} {
  func.func @_first_order_body(%arg0: i32, %arg1: i32, %arg2: memref<26x4096xi32, #tpu.memory_space<hbm>>, %arg3: memref<1x1000000xf32, #tpu.memory_space<hbm>>, %arg4: memref<32x1x128xf32, #tpu.memory_space<hbm>>, %arg5: memref<26x128xi32, #tpu.memory_space<vmem>>, %arg6: memref<26x128xf32, #tpu.memory_space<vmem>>, %arg7: memref<1x128xf32, #tpu.memory_space<vmem>>, %arg8: memref<!tpu.dma_semaphore, #tpu.memory_space<semaphore_mem>>) attributes {dimension_semantics = [#tpu.dimension_semantics<core_parallel>, #tpu.dimension_semantics<subcore_parallel>], iteration_bounds = array<i64: 2, 16>, scalar_prefetch = 0 : i64, scratch_operands = 4 : i64, tpu.core_type = #tpu.core_type<sc_vector_subcore>, window_params = [{transform_indices = #map}, {transform_indices = #map}, {transform_indices = #map1}]} {
    %mul3A = arith.constant 2 : i32
    %mul3A_0 = arith.muli %arg1, %mul3A : i32
    %add3A = arith.addi %mul3A_0, %arg0 : i32
    %mul3A_1 = arith.constant 128 : i32
    %mul3A_2 = arith.muli %add3A, %mul3A_1 : i32
    "tpu.region"() ({
      %run_scoped3A = tpu.sem_alloc : memref<!tpu.dma_semaphore, #tpu.memory_space<semaphore_mem>>
      %dma_start3A_735 = arith.constant 0 : i32
      %dma_start3A_736 = tpu.memref_slice %arg2[%dma_start3A_735, %mul3A_2] : memref<26x4096xi32, #tpu.memory_space<hbm>> -> memref<26x128xi32, #tpu.memory_space<hbm>>
      %dma_start3A_737 = arith.constant 0 : i32
      %dma_start3A_738 = tpu.memref_slice %arg2[%dma_start3A_737, %mul3A_2] : memref<26x4096xi32, #tpu.memory_space<hbm>> -> memref<26x128xi32, #tpu.memory_space<hbm>>
      tpu.enqueue_dma source(%dma_start3A_738 : memref<26x128xi32, #tpu.memory_space<hbm>>) target(%arg5 : memref<26x128xi32, #tpu.memory_space<vmem>>) target_semaphore(%run_scoped3A : memref<!tpu.dma_semaphore, #tpu.memory_space<semaphore_mem>>)
      %dma_wait3A_739 = arith.constant 0 : i32
      %dma_wait3A_740 = tpu.memref_slice %arg2[%dma_wait3A_739, %mul3A_2] : memref<26x4096xi32, #tpu.memory_space<hbm>> -> memref<26x128xi32, #tpu.memory_space<hbm>>
      %dma_wait3A_741 = arith.constant 0 : i32
      %dma_wait3A_742 = tpu.memref_slice %arg2[%dma_wait3A_741, %mul3A_2] : memref<26x4096xi32, #tpu.memory_space<hbm>> -> memref<26x128xi32, #tpu.memory_space<hbm>>
      tpu.wait_dma2 semaphore(%run_scoped3A : memref<!tpu.dma_semaphore, #tpu.memory_space<semaphore_mem>>) src(%dma_wait3A_742 : memref<26x128xi32, #tpu.memory_space<hbm>>) dst(%arg5 : memref<26x128xi32, #tpu.memory_space<vmem>>)
      tpu.yield
    }) : () -> ()
    %dma_start3A = arith.constant 0 : i32
    %dma_start3A_3 = arith.constant 0 : i32
    %dma_start3A_4 = arith.constant 0 : i32
    %dma_start3A_5 = arith.constant 0 : i32
    %dma_start3A_6 = tpu.memref_slice %arg6[%dma_start3A_4, %dma_start3A_5] : memref<26x128xf32, #tpu.memory_space<vmem>> -> memref<1x128xf32, #tpu.memory_space<vmem>>
    %dma_start3A_7 = tpu.memref_squeeze %dma_start3A_6 : memref<1x128xf32, #tpu.memory_space<vmem>> -> memref<128xf32, #tpu.memory_space<vmem>>
    %dma_start3A_8 = arith.constant 0 : i32
    %dma_start3A_9 = tpu.memref_slice %arg5[%dma_start3A_3, %dma_start3A_8] : memref<26x128xi32, #tpu.memory_space<vmem>> -> memref<1x128xi32, #tpu.memory_space<vmem>>
    %dma_start3A_10 = tpu.memref_squeeze %dma_start3A_9 : memref<1x128xi32, #tpu.memory_space<vmem>> -> memref<128xi32, #tpu.memory_space<vmem>>
    %dma_start3A_11 = arith.constant 0 : i32
    %dma_start3A_12 = tpu.memref_slice %arg3[%dma_start3A, %dma_start3A_11] : memref<1x1000000xf32, #tpu.memory_space<hbm>> -> memref<1x1000000xf32, #tpu.memory_space<hbm>>
    %dma_start3A_13 = tpu.memref_squeeze %dma_start3A_12 : memref<1x1000000xf32, #tpu.memory_space<hbm>> -> memref<1000000xf32, #tpu.memory_space<hbm>>
    %dma_start3A_14 = arith.constant 0 : i32
    %dma_start3A_15 = tpu.memref_slice %dma_start3A_13[%dma_start3A_14] : memref<1000000xf32, #tpu.memory_space<hbm>> -> memref<1000000xf32, #tpu.memory_space<hbm>>
    tpu.enqueue_indirect_dma source(%dma_start3A_15 : memref<1000000xf32, #tpu.memory_space<hbm>>) target(%dma_start3A_7 : memref<128xf32, #tpu.memory_space<vmem>>) offsets(%dma_start3A_10 : memref<128xi32, #tpu.memory_space<vmem>>) semaphore(%arg8 : memref<!tpu.dma_semaphore, #tpu.memory_space<semaphore_mem>>)
    %dma_start3A_16 = arith.constant 0 : i32
    %dma_start3A_17 = arith.constant 1 : i32
    %dma_start3A_18 = arith.constant 1 : i32
    %dma_start3A_19 = arith.constant 0 : i32
    %dma_start3A_20 = tpu.memref_slice %arg6[%dma_start3A_18, %dma_start3A_19] : memref<26x128xf32, #tpu.memory_space<vmem>> -> memref<1x128xf32, #tpu.memory_space<vmem>>
    %dma_start3A_21 = tpu.memref_squeeze %dma_start3A_20 : memref<1x128xf32, #tpu.memory_space<vmem>> -> memref<128xf32, #tpu.memory_space<vmem>>
    %dma_start3A_22 = arith.constant 0 : i32
    %dma_start3A_23 = tpu.memref_slice %arg5[%dma_start3A_17, %dma_start3A_22] : memref<26x128xi32, #tpu.memory_space<vmem>> -> memref<1x128xi32, #tpu.memory_space<vmem>>
    %dma_start3A_24 = tpu.memref_squeeze %dma_start3A_23 : memref<1x128xi32, #tpu.memory_space<vmem>> -> memref<128xi32, #tpu.memory_space<vmem>>
    %dma_start3A_25 = arith.constant 0 : i32
    %dma_start3A_26 = tpu.memref_slice %arg3[%dma_start3A_16, %dma_start3A_25] : memref<1x1000000xf32, #tpu.memory_space<hbm>> -> memref<1x1000000xf32, #tpu.memory_space<hbm>>
    %dma_start3A_27 = tpu.memref_squeeze %dma_start3A_26 : memref<1x1000000xf32, #tpu.memory_space<hbm>> -> memref<1000000xf32, #tpu.memory_space<hbm>>
    %dma_start3A_28 = arith.constant 0 : i32
    %dma_start3A_29 = tpu.memref_slice %dma_start3A_27[%dma_start3A_28] : memref<1000000xf32, #tpu.memory_space<hbm>> -> memref<1000000xf32, #tpu.memory_space<hbm>>
    tpu.enqueue_indirect_dma source(%dma_start3A_29 : memref<1000000xf32, #tpu.memory_space<hbm>>) target(%dma_start3A_21 : memref<128xf32, #tpu.memory_space<vmem>>) offsets(%dma_start3A_24 : memref<128xi32, #tpu.memory_space<vmem>>) semaphore(%arg8 : memref<!tpu.dma_semaphore, #tpu.memory_space<semaphore_mem>>)
    %dma_start3A_30 = arith.constant 0 : i32
    %dma_start3A_31 = arith.constant 2 : i32
    %dma_start3A_32 = arith.constant 2 : i32
    %dma_start3A_33 = arith.constant 0 : i32
    %dma_start3A_34 = tpu.memref_slice %arg6[%dma_start3A_32, %dma_start3A_33] : memref<26x128xf32, #tpu.memory_space<vmem>> -> memref<1x128xf32, #tpu.memory_space<vmem>>
    %dma_start3A_35 = tpu.memref_squeeze %dma_start3A_34 : memref<1x128xf32, #tpu.memory_space<vmem>> -> memref<128xf32, #tpu.memory_space<vmem>>
    %dma_start3A_36 = arith.constant 0 : i32
    %dma_start3A_37 = tpu.memref_slice %arg5[%dma_start3A_31, %dma_start3A_36] : memref<26x128xi32, #tpu.memory_space<vmem>> -> memref<1x128xi32, #tpu.memory_space<vmem>>
    %dma_start3A_38 = tpu.memref_squeeze %dma_start3A_37 : memref<1x128xi32, #tpu.memory_space<vmem>> -> memref<128xi32, #tpu.memory_space<vmem>>
    %dma_start3A_39 = arith.constant 0 : i32
    %dma_start3A_40 = tpu.memref_slice %arg3[%dma_start3A_30, %dma_start3A_39] : memref<1x1000000xf32, #tpu.memory_space<hbm>> -> memref<1x1000000xf32, #tpu.memory_space<hbm>>
    %dma_start3A_41 = tpu.memref_squeeze %dma_start3A_40 : memref<1x1000000xf32, #tpu.memory_space<hbm>> -> memref<1000000xf32, #tpu.memory_space<hbm>>
    %dma_start3A_42 = arith.constant 0 : i32
    %dma_start3A_43 = tpu.memref_slice %dma_start3A_41[%dma_start3A_42] : memref<1000000xf32, #tpu.memory_space<hbm>> -> memref<1000000xf32, #tpu.memory_space<hbm>>
    tpu.enqueue_indirect_dma source(%dma_start3A_43 : memref<1000000xf32, #tpu.memory_space<hbm>>) target(%dma_start3A_35 : memref<128xf32, #tpu.memory_space<vmem>>) offsets(%dma_start3A_38 : memref<128xi32, #tpu.memory_space<vmem>>) semaphore(%arg8 : memref<!tpu.dma_semaphore, #tpu.memory_space<semaphore_mem>>)
    %dma_start3A_44 = arith.constant 0 : i32
    %dma_start3A_45 = arith.constant 3 : i32
    %dma_start3A_46 = arith.constant 3 : i32
    %dma_start3A_47 = arith.constant 0 : i32
    %dma_start3A_48 = tpu.memref_slice %arg6[%dma_start3A_46, %dma_start3A_47] : memref<26x128xf32, #tpu.memory_space<vmem>> -> memref<1x128xf32, #tpu.memory_space<vmem>>
    %dma_start3A_49 = tpu.memref_squeeze %dma_start3A_48 : memref<1x128xf32, #tpu.memory_space<vmem>> -> memref<128xf32, #tpu.memory_space<vmem>>
    %dma_start3A_50 = arith.constant 0 : i32
    %dma_start3A_51 = tpu.memref_slice %arg5[%dma_start3A_45, %dma_start3A_50] : memref<26x128xi32, #tpu.memory_space<vmem>> -> memref<1x128xi32, #tpu.memory_space<vmem>>
    %dma_start3A_52 = tpu.memref_squeeze %dma_start3A_51 : memref<1x128xi32, #tpu.memory_space<vmem>> -> memref<128xi32, #tpu.memory_space<vmem>>
    %dma_start3A_53 = arith.constant 0 : i32
    %dma_start3A_54 = tpu.memref_slice %arg3[%dma_start3A_44, %dma_start3A_53] : memref<1x1000000xf32, #tpu.memory_space<hbm>> -> memref<1x1000000xf32, #tpu.memory_space<hbm>>
    %dma_start3A_55 = tpu.memref_squeeze %dma_start3A_54 : memref<1x1000000xf32, #tpu.memory_space<hbm>> -> memref<1000000xf32, #tpu.memory_space<hbm>>
    %dma_start3A_56 = arith.constant 0 : i32
    %dma_start3A_57 = tpu.memref_slice %dma_start3A_55[%dma_start3A_56] : memref<1000000xf32, #tpu.memory_space<hbm>> -> memref<1000000xf32, #tpu.memory_space<hbm>>
    tpu.enqueue_indirect_dma source(%dma_start3A_57 : memref<1000000xf32, #tpu.memory_space<hbm>>) target(%dma_start3A_49 : memref<128xf32, #tpu.memory_space<vmem>>) offsets(%dma_start3A_52 : memref<128xi32, #tpu.memory_space<vmem>>) semaphore(%arg8 : memref<!tpu.dma_semaphore, #tpu.memory_space<semaphore_mem>>)
    %dma_start3A_58 = arith.constant 0 : i32
    %dma_start3A_59 = arith.constant 4 : i32
    %dma_start3A_60 = arith.constant 4 : i32
    %dma_start3A_61 = arith.constant 0 : i32
    %dma_start3A_62 = tpu.memref_slice %arg6[%dma_start3A_60, %dma_start3A_61] : memref<26x128xf32, #tpu.memory_space<vmem>> -> memref<1x128xf32, #tpu.memory_space<vmem>>
    %dma_start3A_63 = tpu.memref_squeeze %dma_start3A_62 : memref<1x128xf32, #tpu.memory_space<vmem>> -> memref<128xf32, #tpu.memory_space<vmem>>
    %dma_start3A_64 = arith.constant 0 : i32
    %dma_start3A_65 = tpu.memref_slice %arg5[%dma_start3A_59, %dma_start3A_64] : memref<26x128xi32, #tpu.memory_space<vmem>> -> memref<1x128xi32, #tpu.memory_space<vmem>>
    %dma_start3A_66 = tpu.memref_squeeze %dma_start3A_65 : memref<1x128xi32, #tpu.memory_space<vmem>> -> memref<128xi32, #tpu.memory_space<vmem>>
    %dma_start3A_67 = arith.constant 0 : i32
    %dma_start3A_68 = tpu.memref_slice %arg3[%dma_start3A_58, %dma_start3A_67] : memref<1x1000000xf32, #tpu.memory_space<hbm>> -> memref<1x1000000xf32, #tpu.memory_space<hbm>>
    %dma_start3A_69 = tpu.memref_squeeze %dma_start3A_68 : memref<1x1000000xf32, #tpu.memory_space<hbm>> -> memref<1000000xf32, #tpu.memory_space<hbm>>
    %dma_start3A_70 = arith.constant 0 : i32
    %dma_start3A_71 = tpu.memref_slice %dma_start3A_69[%dma_start3A_70] : memref<1000000xf32, #tpu.memory_space<hbm>> -> memref<1000000xf32, #tpu.memory_space<hbm>>
    tpu.enqueue_indirect_dma source(%dma_start3A_71 : memref<1000000xf32, #tpu.memory_space<hbm>>) target(%dma_start3A_63 : memref<128xf32, #tpu.memory_space<vmem>>) offsets(%dma_start3A_66 : memref<128xi32, #tpu.memory_space<vmem>>) semaphore(%arg8 : memref<!tpu.dma_semaphore, #tpu.memory_space<semaphore_mem>>)
    %dma_start3A_72 = arith.constant 0 : i32
    %dma_start3A_73 = arith.constant 5 : i32
    %dma_start3A_74 = arith.constant 5 : i32
    %dma_start3A_75 = arith.constant 0 : i32
    %dma_start3A_76 = tpu.memref_slice %arg6[%dma_start3A_74, %dma_start3A_75] : memref<26x128xf32, #tpu.memory_space<vmem>> -> memref<1x128xf32, #tpu.memory_space<vmem>>
    %dma_start3A_77 = tpu.memref_squeeze %dma_start3A_76 : memref<1x128xf32, #tpu.memory_space<vmem>> -> memref<128xf32, #tpu.memory_space<vmem>>
    %dma_start3A_78 = arith.constant 0 : i32
    %dma_start3A_79 = tpu.memref_slice %arg5[%dma_start3A_73, %dma_start3A_78] : memref<26x128xi32, #tpu.memory_space<vmem>> -> memref<1x128xi32, #tpu.memory_space<vmem>>
    %dma_start3A_80 = tpu.memref_squeeze %dma_start3A_79 : memref<1x128xi32, #tpu.memory_space<vmem>> -> memref<128xi32, #tpu.memory_space<vmem>>
    %dma_start3A_81 = arith.constant 0 : i32
    %dma_start3A_82 = tpu.memref_slice %arg3[%dma_start3A_72, %dma_start3A_81] : memref<1x1000000xf32, #tpu.memory_space<hbm>> -> memref<1x1000000xf32, #tpu.memory_space<hbm>>
    %dma_start3A_83 = tpu.memref_squeeze %dma_start3A_82 : memref<1x1000000xf32, #tpu.memory_space<hbm>> -> memref<1000000xf32, #tpu.memory_space<hbm>>
    %dma_start3A_84 = arith.constant 0 : i32
    %dma_start3A_85 = tpu.memref_slice %dma_start3A_83[%dma_start3A_84] : memref<1000000xf32, #tpu.memory_space<hbm>> -> memref<1000000xf32, #tpu.memory_space<hbm>>
    tpu.enqueue_indirect_dma source(%dma_start3A_85 : memref<1000000xf32, #tpu.memory_space<hbm>>) target(%dma_start3A_77 : memref<128xf32, #tpu.memory_space<vmem>>) offsets(%dma_start3A_80 : memref<128xi32, #tpu.memory_space<vmem>>) semaphore(%arg8 : memref<!tpu.dma_semaphore, #tpu.memory_space<semaphore_mem>>)
    %dma_start3A_86 = arith.constant 0 : i32
    %dma_start3A_87 = arith.constant 6 : i32
    %dma_start3A_88 = arith.constant 6 : i32
    %dma_start3A_89 = arith.constant 0 : i32
    %dma_start3A_90 = tpu.memref_slice %arg6[%dma_start3A_88, %dma_start3A_89] : memref<26x128xf32, #tpu.memory_space<vmem>> -> memref<1x128xf32, #tpu.memory_space<vmem>>
    %dma_start3A_91 = tpu.memref_squeeze %dma_start3A_90 : memref<1x128xf32, #tpu.memory_space<vmem>> -> memref<128xf32, #tpu.memory_space<vmem>>
    %dma_start3A_92 = arith.constant 0 : i32
    %dma_start3A_93 = tpu.memref_slice %arg5[%dma_start3A_87, %dma_start3A_92] : memref<26x128xi32, #tpu.memory_space<vmem>> -> memref<1x128xi32, #tpu.memory_space<vmem>>
    %dma_start3A_94 = tpu.memref_squeeze %dma_start3A_93 : memref<1x128xi32, #tpu.memory_space<vmem>> -> memref<128xi32, #tpu.memory_space<vmem>>
    %dma_start3A_95 = arith.constant 0 : i32
    %dma_start3A_96 = tpu.memref_slice %arg3[%dma_start3A_86, %dma_start3A_95] : memref<1x1000000xf32, #tpu.memory_space<hbm>> -> memref<1x1000000xf32, #tpu.memory_space<hbm>>
    %dma_start3A_97 = tpu.memref_squeeze %dma_start3A_96 : memref<1x1000000xf32, #tpu.memory_space<hbm>> -> memref<1000000xf32, #tpu.memory_space<hbm>>
    %dma_start3A_98 = arith.constant 0 : i32
    %dma_start3A_99 = tpu.memref_slice %dma_start3A_97[%dma_start3A_98] : memref<1000000xf32, #tpu.memory_space<hbm>> -> memref<1000000xf32, #tpu.memory_space<hbm>>
    tpu.enqueue_indirect_dma source(%dma_start3A_99 : memref<1000000xf32, #tpu.memory_space<hbm>>) target(%dma_start3A_91 : memref<128xf32, #tpu.memory_space<vmem>>) offsets(%dma_start3A_94 : memref<128xi32, #tpu.memory_space<vmem>>) semaphore(%arg8 : memref<!tpu.dma_semaphore, #tpu.memory_space<semaphore_mem>>)
    %dma_start3A_100 = arith.constant 0 : i32
    %dma_start3A_101 = arith.constant 7 : i32
    %dma_start3A_102 = arith.constant 7 : i32
    %dma_start3A_103 = arith.constant 0 : i32
    %dma_start3A_104 = tpu.memref_slice %arg6[%dma_start3A_102, %dma_start3A_103] : memref<26x128xf32, #tpu.memory_space<vmem>> -> memref<1x128xf32, #tpu.memory_space<vmem>>
    %dma_start3A_105 = tpu.memref_squeeze %dma_start3A_104 : memref<1x128xf32, #tpu.memory_space<vmem>> -> memref<128xf32, #tpu.memory_space<vmem>>
    %dma_start3A_106 = arith.constant 0 : i32
    %dma_start3A_107 = tpu.memref_slice %arg5[%dma_start3A_101, %dma_start3A_106] : memref<26x128xi32, #tpu.memory_space<vmem>> -> memref<1x128xi32, #tpu.memory_space<vmem>>
    %dma_start3A_108 = tpu.memref_squeeze %dma_start3A_107 : memref<1x128xi32, #tpu.memory_space<vmem>> -> memref<128xi32, #tpu.memory_space<vmem>>
    %dma_start3A_109 = arith.constant 0 : i32
    %dma_start3A_110 = tpu.memref_slice %arg3[%dma_start3A_100, %dma_start3A_109] : memref<1x1000000xf32, #tpu.memory_space<hbm>> -> memref<1x1000000xf32, #tpu.memory_space<hbm>>
    %dma_start3A_111 = tpu.memref_squeeze %dma_start3A_110 : memref<1x1000000xf32, #tpu.memory_space<hbm>> -> memref<1000000xf32, #tpu.memory_space<hbm>>
    %dma_start3A_112 = arith.constant 0 : i32
    %dma_start3A_113 = tpu.memref_slice %dma_start3A_111[%dma_start3A_112] : memref<1000000xf32, #tpu.memory_space<hbm>> -> memref<1000000xf32, #tpu.memory_space<hbm>>
    tpu.enqueue_indirect_dma source(%dma_start3A_113 : memref<1000000xf32, #tpu.memory_space<hbm>>) target(%dma_start3A_105 : memref<128xf32, #tpu.memory_space<vmem>>) offsets(%dma_start3A_108 : memref<128xi32, #tpu.memory_space<vmem>>) semaphore(%arg8 : memref<!tpu.dma_semaphore, #tpu.memory_space<semaphore_mem>>)
    %dma_start3A_114 = arith.constant 0 : i32
    %dma_start3A_115 = arith.constant 8 : i32
    %dma_start3A_116 = arith.constant 8 : i32
    %dma_start3A_117 = arith.constant 0 : i32
    %dma_start3A_118 = tpu.memref_slice %arg6[%dma_start3A_116, %dma_start3A_117] : memref<26x128xf32, #tpu.memory_space<vmem>> -> memref<1x128xf32, #tpu.memory_space<vmem>>
    %dma_start3A_119 = tpu.memref_squeeze %dma_start3A_118 : memref<1x128xf32, #tpu.memory_space<vmem>> -> memref<128xf32, #tpu.memory_space<vmem>>
    %dma_start3A_120 = arith.constant 0 : i32
    %dma_start3A_121 = tpu.memref_slice %arg5[%dma_start3A_115, %dma_start3A_120] : memref<26x128xi32, #tpu.memory_space<vmem>> -> memref<1x128xi32, #tpu.memory_space<vmem>>
    %dma_start3A_122 = tpu.memref_squeeze %dma_start3A_121 : memref<1x128xi32, #tpu.memory_space<vmem>> -> memref<128xi32, #tpu.memory_space<vmem>>
    %dma_start3A_123 = arith.constant 0 : i32
    %dma_start3A_124 = tpu.memref_slice %arg3[%dma_start3A_114, %dma_start3A_123] : memref<1x1000000xf32, #tpu.memory_space<hbm>> -> memref<1x1000000xf32, #tpu.memory_space<hbm>>
    %dma_start3A_125 = tpu.memref_squeeze %dma_start3A_124 : memref<1x1000000xf32, #tpu.memory_space<hbm>> -> memref<1000000xf32, #tpu.memory_space<hbm>>
    %dma_start3A_126 = arith.constant 0 : i32
    %dma_start3A_127 = tpu.memref_slice %dma_start3A_125[%dma_start3A_126] : memref<1000000xf32, #tpu.memory_space<hbm>> -> memref<1000000xf32, #tpu.memory_space<hbm>>
    tpu.enqueue_indirect_dma source(%dma_start3A_127 : memref<1000000xf32, #tpu.memory_space<hbm>>) target(%dma_start3A_119 : memref<128xf32, #tpu.memory_space<vmem>>) offsets(%dma_start3A_122 : memref<128xi32, #tpu.memory_space<vmem>>) semaphore(%arg8 : memref<!tpu.dma_semaphore, #tpu.memory_space<semaphore_mem>>)
    %dma_start3A_128 = arith.constant 0 : i32
    %dma_start3A_129 = arith.constant 9 : i32
    %dma_start3A_130 = arith.constant 9 : i32
    %dma_start3A_131 = arith.constant 0 : i32
    %dma_start3A_132 = tpu.memref_slice %arg6[%dma_start3A_130, %dma_start3A_131] : memref<26x128xf32, #tpu.memory_space<vmem>> -> memref<1x128xf32, #tpu.memory_space<vmem>>
    %dma_start3A_133 = tpu.memref_squeeze %dma_start3A_132 : memref<1x128xf32, #tpu.memory_space<vmem>> -> memref<128xf32, #tpu.memory_space<vmem>>
    %dma_start3A_134 = arith.constant 0 : i32
    %dma_start3A_135 = tpu.memref_slice %arg5[%dma_start3A_129, %dma_start3A_134] : memref<26x128xi32, #tpu.memory_space<vmem>> -> memref<1x128xi32, #tpu.memory_space<vmem>>
    %dma_start3A_136 = tpu.memref_squeeze %dma_start3A_135 : memref<1x128xi32, #tpu.memory_space<vmem>> -> memref<128xi32, #tpu.memory_space<vmem>>
    %dma_start3A_137 = arith.constant 0 : i32
    %dma_start3A_138 = tpu.memref_slice %arg3[%dma_start3A_128, %dma_start3A_137] : memref<1x1000000xf32, #tpu.memory_space<hbm>> -> memref<1x1000000xf32, #tpu.memory_space<hbm>>
    %dma_start3A_139 = tpu.memref_squeeze %dma_start3A_138 : memref<1x1000000xf32, #tpu.memory_space<hbm>> -> memref<1000000xf32, #tpu.memory_space<hbm>>
    %dma_start3A_140 = arith.constant 0 : i32
    %dma_start3A_141 = tpu.memref_slice %dma_start3A_139[%dma_start3A_140] : memref<1000000xf32, #tpu.memory_space<hbm>> -> memref<1000000xf32, #tpu.memory_space<hbm>>
    tpu.enqueue_indirect_dma source(%dma_start3A_141 : memref<1000000xf32, #tpu.memory_space<hbm>>) target(%dma_start3A_133 : memref<128xf32, #tpu.memory_space<vmem>>) offsets(%dma_start3A_136 : memref<128xi32, #tpu.memory_space<vmem>>) semaphore(%arg8 : memref<!tpu.dma_semaphore, #tpu.memory_space<semaphore_mem>>)
    %dma_start3A_142 = arith.constant 0 : i32
    %dma_start3A_143 = arith.constant 10 : i32
    %dma_start3A_144 = arith.constant 10 : i32
    %dma_start3A_145 = arith.constant 0 : i32
    %dma_start3A_146 = tpu.memref_slice %arg6[%dma_start3A_144, %dma_start3A_145] : memref<26x128xf32, #tpu.memory_space<vmem>> -> memref<1x128xf32, #tpu.memory_space<vmem>>
    %dma_start3A_147 = tpu.memref_squeeze %dma_start3A_146 : memref<1x128xf32, #tpu.memory_space<vmem>> -> memref<128xf32, #tpu.memory_space<vmem>>
    %dma_start3A_148 = arith.constant 0 : i32
    %dma_start3A_149 = tpu.memref_slice %arg5[%dma_start3A_143, %dma_start3A_148] : memref<26x128xi32, #tpu.memory_space<vmem>> -> memref<1x128xi32, #tpu.memory_space<vmem>>
    %dma_start3A_150 = tpu.memref_squeeze %dma_start3A_149 : memref<1x128xi32, #tpu.memory_space<vmem>> -> memref<128xi32, #tpu.memory_space<vmem>>
    %dma_start3A_151 = arith.constant 0 : i32
    %dma_start3A_152 = tpu.memref_slice %arg3[%dma_start3A_142, %dma_start3A_151] : memref<1x1000000xf32, #tpu.memory_space<hbm>> -> memref<1x1000000xf32, #tpu.memory_space<hbm>>
    %dma_start3A_153 = tpu.memref_squeeze %dma_start3A_152 : memref<1x1000000xf32, #tpu.memory_space<hbm>> -> memref<1000000xf32, #tpu.memory_space<hbm>>
    %dma_start3A_154 = arith.constant 0 : i32
    %dma_start3A_155 = tpu.memref_slice %dma_start3A_153[%dma_start3A_154] : memref<1000000xf32, #tpu.memory_space<hbm>> -> memref<1000000xf32, #tpu.memory_space<hbm>>
    tpu.enqueue_indirect_dma source(%dma_start3A_155 : memref<1000000xf32, #tpu.memory_space<hbm>>) target(%dma_start3A_147 : memref<128xf32, #tpu.memory_space<vmem>>) offsets(%dma_start3A_150 : memref<128xi32, #tpu.memory_space<vmem>>) semaphore(%arg8 : memref<!tpu.dma_semaphore, #tpu.memory_space<semaphore_mem>>)
    %dma_start3A_156 = arith.constant 0 : i32
    %dma_start3A_157 = arith.constant 11 : i32
    %dma_start3A_158 = arith.constant 11 : i32
    %dma_start3A_159 = arith.constant 0 : i32
    %dma_start3A_160 = tpu.memref_slice %arg6[%dma_start3A_158, %dma_start3A_159] : memref<26x128xf32, #tpu.memory_space<vmem>> -> memref<1x128xf32, #tpu.memory_space<vmem>>
    %dma_start3A_161 = tpu.memref_squeeze %dma_start3A_160 : memref<1x128xf32, #tpu.memory_space<vmem>> -> memref<128xf32, #tpu.memory_space<vmem>>
    %dma_start3A_162 = arith.constant 0 : i32
    %dma_start3A_163 = tpu.memref_slice %arg5[%dma_start3A_157, %dma_start3A_162] : memref<26x128xi32, #tpu.memory_space<vmem>> -> memref<1x128xi32, #tpu.memory_space<vmem>>
    %dma_start3A_164 = tpu.memref_squeeze %dma_start3A_163 : memref<1x128xi32, #tpu.memory_space<vmem>> -> memref<128xi32, #tpu.memory_space<vmem>>
    %dma_start3A_165 = arith.constant 0 : i32
    %dma_start3A_166 = tpu.memref_slice %arg3[%dma_start3A_156, %dma_start3A_165] : memref<1x1000000xf32, #tpu.memory_space<hbm>> -> memref<1x1000000xf32, #tpu.memory_space<hbm>>
    %dma_start3A_167 = tpu.memref_squeeze %dma_start3A_166 : memref<1x1000000xf32, #tpu.memory_space<hbm>> -> memref<1000000xf32, #tpu.memory_space<hbm>>
    %dma_start3A_168 = arith.constant 0 : i32
    %dma_start3A_169 = tpu.memref_slice %dma_start3A_167[%dma_start3A_168] : memref<1000000xf32, #tpu.memory_space<hbm>> -> memref<1000000xf32, #tpu.memory_space<hbm>>
    tpu.enqueue_indirect_dma source(%dma_start3A_169 : memref<1000000xf32, #tpu.memory_space<hbm>>) target(%dma_start3A_161 : memref<128xf32, #tpu.memory_space<vmem>>) offsets(%dma_start3A_164 : memref<128xi32, #tpu.memory_space<vmem>>) semaphore(%arg8 : memref<!tpu.dma_semaphore, #tpu.memory_space<semaphore_mem>>)
    %dma_start3A_170 = arith.constant 0 : i32
    %dma_start3A_171 = arith.constant 12 : i32
    %dma_start3A_172 = arith.constant 12 : i32
    %dma_start3A_173 = arith.constant 0 : i32
    %dma_start3A_174 = tpu.memref_slice %arg6[%dma_start3A_172, %dma_start3A_173] : memref<26x128xf32, #tpu.memory_space<vmem>> -> memref<1x128xf32, #tpu.memory_space<vmem>>
    %dma_start3A_175 = tpu.memref_squeeze %dma_start3A_174 : memref<1x128xf32, #tpu.memory_space<vmem>> -> memref<128xf32, #tpu.memory_space<vmem>>
    %dma_start3A_176 = arith.constant 0 : i32
    %dma_start3A_177 = tpu.memref_slice %arg5[%dma_start3A_171, %dma_start3A_176] : memref<26x128xi32, #tpu.memory_space<vmem>> -> memref<1x128xi32, #tpu.memory_space<vmem>>
    %dma_start3A_178 = tpu.memref_squeeze %dma_start3A_177 : memref<1x128xi32, #tpu.memory_space<vmem>> -> memref<128xi32, #tpu.memory_space<vmem>>
    %dma_start3A_179 = arith.constant 0 : i32
    %dma_start3A_180 = tpu.memref_slice %arg3[%dma_start3A_170, %dma_start3A_179] : memref<1x1000000xf32, #tpu.memory_space<hbm>> -> memref<1x1000000xf32, #tpu.memory_space<hbm>>
    %dma_start3A_181 = tpu.memref_squeeze %dma_start3A_180 : memref<1x1000000xf32, #tpu.memory_space<hbm>> -> memref<1000000xf32, #tpu.memory_space<hbm>>
    %dma_start3A_182 = arith.constant 0 : i32
    %dma_start3A_183 = tpu.memref_slice %dma_start3A_181[%dma_start3A_182] : memref<1000000xf32, #tpu.memory_space<hbm>> -> memref<1000000xf32, #tpu.memory_space<hbm>>
    tpu.enqueue_indirect_dma source(%dma_start3A_183 : memref<1000000xf32, #tpu.memory_space<hbm>>) target(%dma_start3A_175 : memref<128xf32, #tpu.memory_space<vmem>>) offsets(%dma_start3A_178 : memref<128xi32, #tpu.memory_space<vmem>>) semaphore(%arg8 : memref<!tpu.dma_semaphore, #tpu.memory_space<semaphore_mem>>)
    %dma_start3A_184 = arith.constant 0 : i32
    %dma_start3A_185 = arith.constant 13 : i32
    %dma_start3A_186 = arith.constant 13 : i32
    %dma_start3A_187 = arith.constant 0 : i32
    %dma_start3A_188 = tpu.memref_slice %arg6[%dma_start3A_186, %dma_start3A_187] : memref<26x128xf32, #tpu.memory_space<vmem>> -> memref<1x128xf32, #tpu.memory_space<vmem>>
    %dma_start3A_189 = tpu.memref_squeeze %dma_start3A_188 : memref<1x128xf32, #tpu.memory_space<vmem>> -> memref<128xf32, #tpu.memory_space<vmem>>
    %dma_start3A_190 = arith.constant 0 : i32
    %dma_start3A_191 = tpu.memref_slice %arg5[%dma_start3A_185, %dma_start3A_190] : memref<26x128xi32, #tpu.memory_space<vmem>> -> memref<1x128xi32, #tpu.memory_space<vmem>>
    %dma_start3A_192 = tpu.memref_squeeze %dma_start3A_191 : memref<1x128xi32, #tpu.memory_space<vmem>> -> memref<128xi32, #tpu.memory_space<vmem>>
    %dma_start3A_193 = arith.constant 0 : i32
    %dma_start3A_194 = tpu.memref_slice %arg3[%dma_start3A_184, %dma_start3A_193] : memref<1x1000000xf32, #tpu.memory_space<hbm>> -> memref<1x1000000xf32, #tpu.memory_space<hbm>>
    %dma_start3A_195 = tpu.memref_squeeze %dma_start3A_194 : memref<1x1000000xf32, #tpu.memory_space<hbm>> -> memref<1000000xf32, #tpu.memory_space<hbm>>
    %dma_start3A_196 = arith.constant 0 : i32
    %dma_start3A_197 = tpu.memref_slice %dma_start3A_195[%dma_start3A_196] : memref<1000000xf32, #tpu.memory_space<hbm>> -> memref<1000000xf32, #tpu.memory_space<hbm>>
    tpu.enqueue_indirect_dma source(%dma_start3A_197 : memref<1000000xf32, #tpu.memory_space<hbm>>) target(%dma_start3A_189 : memref<128xf32, #tpu.memory_space<vmem>>) offsets(%dma_start3A_192 : memref<128xi32, #tpu.memory_space<vmem>>) semaphore(%arg8 : memref<!tpu.dma_semaphore, #tpu.memory_space<semaphore_mem>>)
    %dma_start3A_198 = arith.constant 0 : i32
    %dma_start3A_199 = arith.constant 14 : i32
    %dma_start3A_200 = arith.constant 14 : i32
    %dma_start3A_201 = arith.constant 0 : i32
    %dma_start3A_202 = tpu.memref_slice %arg6[%dma_start3A_200, %dma_start3A_201] : memref<26x128xf32, #tpu.memory_space<vmem>> -> memref<1x128xf32, #tpu.memory_space<vmem>>
    %dma_start3A_203 = tpu.memref_squeeze %dma_start3A_202 : memref<1x128xf32, #tpu.memory_space<vmem>> -> memref<128xf32, #tpu.memory_space<vmem>>
    %dma_start3A_204 = arith.constant 0 : i32
    %dma_start3A_205 = tpu.memref_slice %arg5[%dma_start3A_199, %dma_start3A_204] : memref<26x128xi32, #tpu.memory_space<vmem>> -> memref<1x128xi32, #tpu.memory_space<vmem>>
    %dma_start3A_206 = tpu.memref_squeeze %dma_start3A_205 : memref<1x128xi32, #tpu.memory_space<vmem>> -> memref<128xi32, #tpu.memory_space<vmem>>
    %dma_start3A_207 = arith.constant 0 : i32
    %dma_start3A_208 = tpu.memref_slice %arg3[%dma_start3A_198, %dma_start3A_207] : memref<1x1000000xf32, #tpu.memory_space<hbm>> -> memref<1x1000000xf32, #tpu.memory_space<hbm>>
    %dma_start3A_209 = tpu.memref_squeeze %dma_start3A_208 : memref<1x1000000xf32, #tpu.memory_space<hbm>> -> memref<1000000xf32, #tpu.memory_space<hbm>>
    %dma_start3A_210 = arith.constant 0 : i32
    %dma_start3A_211 = tpu.memref_slice %dma_start3A_209[%dma_start3A_210] : memref<1000000xf32, #tpu.memory_space<hbm>> -> memref<1000000xf32, #tpu.memory_space<hbm>>
    tpu.enqueue_indirect_dma source(%dma_start3A_211 : memref<1000000xf32, #tpu.memory_space<hbm>>) target(%dma_start3A_203 : memref<128xf32, #tpu.memory_space<vmem>>) offsets(%dma_start3A_206 : memref<128xi32, #tpu.memory_space<vmem>>) semaphore(%arg8 : memref<!tpu.dma_semaphore, #tpu.memory_space<semaphore_mem>>)
    %dma_start3A_212 = arith.constant 0 : i32
    %dma_start3A_213 = arith.constant 15 : i32
    %dma_start3A_214 = arith.constant 15 : i32
    %dma_start3A_215 = arith.constant 0 : i32
    %dma_start3A_216 = tpu.memref_slice %arg6[%dma_start3A_214, %dma_start3A_215] : memref<26x128xf32, #tpu.memory_space<vmem>> -> memref<1x128xf32, #tpu.memory_space<vmem>>
    %dma_start3A_217 = tpu.memref_squeeze %dma_start3A_216 : memref<1x128xf32, #tpu.memory_space<vmem>> -> memref<128xf32, #tpu.memory_space<vmem>>
    %dma_start3A_218 = arith.constant 0 : i32
    %dma_start3A_219 = tpu.memref_slice %arg5[%dma_start3A_213, %dma_start3A_218] : memref<26x128xi32, #tpu.memory_space<vmem>> -> memref<1x128xi32, #tpu.memory_space<vmem>>
    %dma_start3A_220 = tpu.memref_squeeze %dma_start3A_219 : memref<1x128xi32, #tpu.memory_space<vmem>> -> memref<128xi32, #tpu.memory_space<vmem>>
    %dma_start3A_221 = arith.constant 0 : i32
    %dma_start3A_222 = tpu.memref_slice %arg3[%dma_start3A_212, %dma_start3A_221] : memref<1x1000000xf32, #tpu.memory_space<hbm>> -> memref<1x1000000xf32, #tpu.memory_space<hbm>>
    %dma_start3A_223 = tpu.memref_squeeze %dma_start3A_222 : memref<1x1000000xf32, #tpu.memory_space<hbm>> -> memref<1000000xf32, #tpu.memory_space<hbm>>
    %dma_start3A_224 = arith.constant 0 : i32
    %dma_start3A_225 = tpu.memref_slice %dma_start3A_223[%dma_start3A_224] : memref<1000000xf32, #tpu.memory_space<hbm>> -> memref<1000000xf32, #tpu.memory_space<hbm>>
    tpu.enqueue_indirect_dma source(%dma_start3A_225 : memref<1000000xf32, #tpu.memory_space<hbm>>) target(%dma_start3A_217 : memref<128xf32, #tpu.memory_space<vmem>>) offsets(%dma_start3A_220 : memref<128xi32, #tpu.memory_space<vmem>>) semaphore(%arg8 : memref<!tpu.dma_semaphore, #tpu.memory_space<semaphore_mem>>)
    %dma_start3A_226 = arith.constant 0 : i32
    %dma_start3A_227 = arith.constant 16 : i32
    %dma_start3A_228 = arith.constant 16 : i32
    %dma_start3A_229 = arith.constant 0 : i32
    %dma_start3A_230 = tpu.memref_slice %arg6[%dma_start3A_228, %dma_start3A_229] : memref<26x128xf32, #tpu.memory_space<vmem>> -> memref<1x128xf32, #tpu.memory_space<vmem>>
    %dma_start3A_231 = tpu.memref_squeeze %dma_start3A_230 : memref<1x128xf32, #tpu.memory_space<vmem>> -> memref<128xf32, #tpu.memory_space<vmem>>
    %dma_start3A_232 = arith.constant 0 : i32
    %dma_start3A_233 = tpu.memref_slice %arg5[%dma_start3A_227, %dma_start3A_232] : memref<26x128xi32, #tpu.memory_space<vmem>> -> memref<1x128xi32, #tpu.memory_space<vmem>>
    %dma_start3A_234 = tpu.memref_squeeze %dma_start3A_233 : memref<1x128xi32, #tpu.memory_space<vmem>> -> memref<128xi32, #tpu.memory_space<vmem>>
    %dma_start3A_235 = arith.constant 0 : i32
    %dma_start3A_236 = tpu.memref_slice %arg3[%dma_start3A_226, %dma_start3A_235] : memref<1x1000000xf32, #tpu.memory_space<hbm>> -> memref<1x1000000xf32, #tpu.memory_space<hbm>>
    %dma_start3A_237 = tpu.memref_squeeze %dma_start3A_236 : memref<1x1000000xf32, #tpu.memory_space<hbm>> -> memref<1000000xf32, #tpu.memory_space<hbm>>
    %dma_start3A_238 = arith.constant 0 : i32
    %dma_start3A_239 = tpu.memref_slice %dma_start3A_237[%dma_start3A_238] : memref<1000000xf32, #tpu.memory_space<hbm>> -> memref<1000000xf32, #tpu.memory_space<hbm>>
    tpu.enqueue_indirect_dma source(%dma_start3A_239 : memref<1000000xf32, #tpu.memory_space<hbm>>) target(%dma_start3A_231 : memref<128xf32, #tpu.memory_space<vmem>>) offsets(%dma_start3A_234 : memref<128xi32, #tpu.memory_space<vmem>>) semaphore(%arg8 : memref<!tpu.dma_semaphore, #tpu.memory_space<semaphore_mem>>)
    %dma_start3A_240 = arith.constant 0 : i32
    %dma_start3A_241 = arith.constant 17 : i32
    %dma_start3A_242 = arith.constant 17 : i32
    %dma_start3A_243 = arith.constant 0 : i32
    %dma_start3A_244 = tpu.memref_slice %arg6[%dma_start3A_242, %dma_start3A_243] : memref<26x128xf32, #tpu.memory_space<vmem>> -> memref<1x128xf32, #tpu.memory_space<vmem>>
    %dma_start3A_245 = tpu.memref_squeeze %dma_start3A_244 : memref<1x128xf32, #tpu.memory_space<vmem>> -> memref<128xf32, #tpu.memory_space<vmem>>
    %dma_start3A_246 = arith.constant 0 : i32
    %dma_start3A_247 = tpu.memref_slice %arg5[%dma_start3A_241, %dma_start3A_246] : memref<26x128xi32, #tpu.memory_space<vmem>> -> memref<1x128xi32, #tpu.memory_space<vmem>>
    %dma_start3A_248 = tpu.memref_squeeze %dma_start3A_247 : memref<1x128xi32, #tpu.memory_space<vmem>> -> memref<128xi32, #tpu.memory_space<vmem>>
    %dma_start3A_249 = arith.constant 0 : i32
    %dma_start3A_250 = tpu.memref_slice %arg3[%dma_start3A_240, %dma_start3A_249] : memref<1x1000000xf32, #tpu.memory_space<hbm>> -> memref<1x1000000xf32, #tpu.memory_space<hbm>>
    %dma_start3A_251 = tpu.memref_squeeze %dma_start3A_250 : memref<1x1000000xf32, #tpu.memory_space<hbm>> -> memref<1000000xf32, #tpu.memory_space<hbm>>
    %dma_start3A_252 = arith.constant 0 : i32
    %dma_start3A_253 = tpu.memref_slice %dma_start3A_251[%dma_start3A_252] : memref<1000000xf32, #tpu.memory_space<hbm>> -> memref<1000000xf32, #tpu.memory_space<hbm>>
    tpu.enqueue_indirect_dma source(%dma_start3A_253 : memref<1000000xf32, #tpu.memory_space<hbm>>) target(%dma_start3A_245 : memref<128xf32, #tpu.memory_space<vmem>>) offsets(%dma_start3A_248 : memref<128xi32, #tpu.memory_space<vmem>>) semaphore(%arg8 : memref<!tpu.dma_semaphore, #tpu.memory_space<semaphore_mem>>)
    %dma_start3A_254 = arith.constant 0 : i32
    %dma_start3A_255 = arith.constant 18 : i32
    %dma_start3A_256 = arith.constant 18 : i32
    %dma_start3A_257 = arith.constant 0 : i32
    %dma_start3A_258 = tpu.memref_slice %arg6[%dma_start3A_256, %dma_start3A_257] : memref<26x128xf32, #tpu.memory_space<vmem>> -> memref<1x128xf32, #tpu.memory_space<vmem>>
    %dma_start3A_259 = tpu.memref_squeeze %dma_start3A_258 : memref<1x128xf32, #tpu.memory_space<vmem>> -> memref<128xf32, #tpu.memory_space<vmem>>
    %dma_start3A_260 = arith.constant 0 : i32
    %dma_start3A_261 = tpu.memref_slice %arg5[%dma_start3A_255, %dma_start3A_260] : memref<26x128xi32, #tpu.memory_space<vmem>> -> memref<1x128xi32, #tpu.memory_space<vmem>>
    %dma_start3A_262 = tpu.memref_squeeze %dma_start3A_261 : memref<1x128xi32, #tpu.memory_space<vmem>> -> memref<128xi32, #tpu.memory_space<vmem>>
    %dma_start3A_263 = arith.constant 0 : i32
    %dma_start3A_264 = tpu.memref_slice %arg3[%dma_start3A_254, %dma_start3A_263] : memref<1x1000000xf32, #tpu.memory_space<hbm>> -> memref<1x1000000xf32, #tpu.memory_space<hbm>>
    %dma_start3A_265 = tpu.memref_squeeze %dma_start3A_264 : memref<1x1000000xf32, #tpu.memory_space<hbm>> -> memref<1000000xf32, #tpu.memory_space<hbm>>
    %dma_start3A_266 = arith.constant 0 : i32
    %dma_start3A_267 = tpu.memref_slice %dma_start3A_265[%dma_start3A_266] : memref<1000000xf32, #tpu.memory_space<hbm>> -> memref<1000000xf32, #tpu.memory_space<hbm>>
    tpu.enqueue_indirect_dma source(%dma_start3A_267 : memref<1000000xf32, #tpu.memory_space<hbm>>) target(%dma_start3A_259 : memref<128xf32, #tpu.memory_space<vmem>>) offsets(%dma_start3A_262 : memref<128xi32, #tpu.memory_space<vmem>>) semaphore(%arg8 : memref<!tpu.dma_semaphore, #tpu.memory_space<semaphore_mem>>)
    %dma_start3A_268 = arith.constant 0 : i32
    %dma_start3A_269 = arith.constant 19 : i32
    %dma_start3A_270 = arith.constant 19 : i32
    %dma_start3A_271 = arith.constant 0 : i32
    %dma_start3A_272 = tpu.memref_slice %arg6[%dma_start3A_270, %dma_start3A_271] : memref<26x128xf32, #tpu.memory_space<vmem>> -> memref<1x128xf32, #tpu.memory_space<vmem>>
    %dma_start3A_273 = tpu.memref_squeeze %dma_start3A_272 : memref<1x128xf32, #tpu.memory_space<vmem>> -> memref<128xf32, #tpu.memory_space<vmem>>
    %dma_start3A_274 = arith.constant 0 : i32
    %dma_start3A_275 = tpu.memref_slice %arg5[%dma_start3A_269, %dma_start3A_274] : memref<26x128xi32, #tpu.memory_space<vmem>> -> memref<1x128xi32, #tpu.memory_space<vmem>>
    %dma_start3A_276 = tpu.memref_squeeze %dma_start3A_275 : memref<1x128xi32, #tpu.memory_space<vmem>> -> memref<128xi32, #tpu.memory_space<vmem>>
    %dma_start3A_277 = arith.constant 0 : i32
    %dma_start3A_278 = tpu.memref_slice %arg3[%dma_start3A_268, %dma_start3A_277] : memref<1x1000000xf32, #tpu.memory_space<hbm>> -> memref<1x1000000xf32, #tpu.memory_space<hbm>>
    %dma_start3A_279 = tpu.memref_squeeze %dma_start3A_278 : memref<1x1000000xf32, #tpu.memory_space<hbm>> -> memref<1000000xf32, #tpu.memory_space<hbm>>
    %dma_start3A_280 = arith.constant 0 : i32
    %dma_start3A_281 = tpu.memref_slice %dma_start3A_279[%dma_start3A_280] : memref<1000000xf32, #tpu.memory_space<hbm>> -> memref<1000000xf32, #tpu.memory_space<hbm>>
    tpu.enqueue_indirect_dma source(%dma_start3A_281 : memref<1000000xf32, #tpu.memory_space<hbm>>) target(%dma_start3A_273 : memref<128xf32, #tpu.memory_space<vmem>>) offsets(%dma_start3A_276 : memref<128xi32, #tpu.memory_space<vmem>>) semaphore(%arg8 : memref<!tpu.dma_semaphore, #tpu.memory_space<semaphore_mem>>)
    %dma_start3A_282 = arith.constant 0 : i32
    %dma_start3A_283 = arith.constant 20 : i32
    %dma_start3A_284 = arith.constant 20 : i32
    %dma_start3A_285 = arith.constant 0 : i32
    %dma_start3A_286 = tpu.memref_slice %arg6[%dma_start3A_284, %dma_start3A_285] : memref<26x128xf32, #tpu.memory_space<vmem>> -> memref<1x128xf32, #tpu.memory_space<vmem>>
    %dma_start3A_287 = tpu.memref_squeeze %dma_start3A_286 : memref<1x128xf32, #tpu.memory_space<vmem>> -> memref<128xf32, #tpu.memory_space<vmem>>
    %dma_start3A_288 = arith.constant 0 : i32
    %dma_start3A_289 = tpu.memref_slice %arg5[%dma_start3A_283, %dma_start3A_288] : memref<26x128xi32, #tpu.memory_space<vmem>> -> memref<1x128xi32, #tpu.memory_space<vmem>>
    %dma_start3A_290 = tpu.memref_squeeze %dma_start3A_289 : memref<1x128xi32, #tpu.memory_space<vmem>> -> memref<128xi32, #tpu.memory_space<vmem>>
    %dma_start3A_291 = arith.constant 0 : i32
    %dma_start3A_292 = tpu.memref_slice %arg3[%dma_start3A_282, %dma_start3A_291] : memref<1x1000000xf32, #tpu.memory_space<hbm>> -> memref<1x1000000xf32, #tpu.memory_space<hbm>>
    %dma_start3A_293 = tpu.memref_squeeze %dma_start3A_292 : memref<1x1000000xf32, #tpu.memory_space<hbm>> -> memref<1000000xf32, #tpu.memory_space<hbm>>
    %dma_start3A_294 = arith.constant 0 : i32
    %dma_start3A_295 = tpu.memref_slice %dma_start3A_293[%dma_start3A_294] : memref<1000000xf32, #tpu.memory_space<hbm>> -> memref<1000000xf32, #tpu.memory_space<hbm>>
    tpu.enqueue_indirect_dma source(%dma_start3A_295 : memref<1000000xf32, #tpu.memory_space<hbm>>) target(%dma_start3A_287 : memref<128xf32, #tpu.memory_space<vmem>>) offsets(%dma_start3A_290 : memref<128xi32, #tpu.memory_space<vmem>>) semaphore(%arg8 : memref<!tpu.dma_semaphore, #tpu.memory_space<semaphore_mem>>)
    %dma_start3A_296 = arith.constant 0 : i32
    %dma_start3A_297 = arith.constant 21 : i32
    %dma_start3A_298 = arith.constant 21 : i32
    %dma_start3A_299 = arith.constant 0 : i32
    %dma_start3A_300 = tpu.memref_slice %arg6[%dma_start3A_298, %dma_start3A_299] : memref<26x128xf32, #tpu.memory_space<vmem>> -> memref<1x128xf32, #tpu.memory_space<vmem>>
    %dma_start3A_301 = tpu.memref_squeeze %dma_start3A_300 : memref<1x128xf32, #tpu.memory_space<vmem>> -> memref<128xf32, #tpu.memory_space<vmem>>
    %dma_start3A_302 = arith.constant 0 : i32
    %dma_start3A_303 = tpu.memref_slice %arg5[%dma_start3A_297, %dma_start3A_302] : memref<26x128xi32, #tpu.memory_space<vmem>> -> memref<1x128xi32, #tpu.memory_space<vmem>>
    %dma_start3A_304 = tpu.memref_squeeze %dma_start3A_303 : memref<1x128xi32, #tpu.memory_space<vmem>> -> memref<128xi32, #tpu.memory_space<vmem>>
    %dma_start3A_305 = arith.constant 0 : i32
    %dma_start3A_306 = tpu.memref_slice %arg3[%dma_start3A_296, %dma_start3A_305] : memref<1x1000000xf32, #tpu.memory_space<hbm>> -> memref<1x1000000xf32, #tpu.memory_space<hbm>>
    %dma_start3A_307 = tpu.memref_squeeze %dma_start3A_306 : memref<1x1000000xf32, #tpu.memory_space<hbm>> -> memref<1000000xf32, #tpu.memory_space<hbm>>
    %dma_start3A_308 = arith.constant 0 : i32
    %dma_start3A_309 = tpu.memref_slice %dma_start3A_307[%dma_start3A_308] : memref<1000000xf32, #tpu.memory_space<hbm>> -> memref<1000000xf32, #tpu.memory_space<hbm>>
    tpu.enqueue_indirect_dma source(%dma_start3A_309 : memref<1000000xf32, #tpu.memory_space<hbm>>) target(%dma_start3A_301 : memref<128xf32, #tpu.memory_space<vmem>>) offsets(%dma_start3A_304 : memref<128xi32, #tpu.memory_space<vmem>>) semaphore(%arg8 : memref<!tpu.dma_semaphore, #tpu.memory_space<semaphore_mem>>)
    %dma_start3A_310 = arith.constant 0 : i32
    %dma_start3A_311 = arith.constant 22 : i32
    %dma_start3A_312 = arith.constant 22 : i32
    %dma_start3A_313 = arith.constant 0 : i32
    %dma_start3A_314 = tpu.memref_slice %arg6[%dma_start3A_312, %dma_start3A_313] : memref<26x128xf32, #tpu.memory_space<vmem>> -> memref<1x128xf32, #tpu.memory_space<vmem>>
    %dma_start3A_315 = tpu.memref_squeeze %dma_start3A_314 : memref<1x128xf32, #tpu.memory_space<vmem>> -> memref<128xf32, #tpu.memory_space<vmem>>
    %dma_start3A_316 = arith.constant 0 : i32
    %dma_start3A_317 = tpu.memref_slice %arg5[%dma_start3A_311, %dma_start3A_316] : memref<26x128xi32, #tpu.memory_space<vmem>> -> memref<1x128xi32, #tpu.memory_space<vmem>>
    %dma_start3A_318 = tpu.memref_squeeze %dma_start3A_317 : memref<1x128xi32, #tpu.memory_space<vmem>> -> memref<128xi32, #tpu.memory_space<vmem>>
    %dma_start3A_319 = arith.constant 0 : i32
    %dma_start3A_320 = tpu.memref_slice %arg3[%dma_start3A_310, %dma_start3A_319] : memref<1x1000000xf32, #tpu.memory_space<hbm>> -> memref<1x1000000xf32, #tpu.memory_space<hbm>>
    %dma_start3A_321 = tpu.memref_squeeze %dma_start3A_320 : memref<1x1000000xf32, #tpu.memory_space<hbm>> -> memref<1000000xf32, #tpu.memory_space<hbm>>
    %dma_start3A_322 = arith.constant 0 : i32
    %dma_start3A_323 = tpu.memref_slice %dma_start3A_321[%dma_start3A_322] : memref<1000000xf32, #tpu.memory_space<hbm>> -> memref<1000000xf32, #tpu.memory_space<hbm>>
    tpu.enqueue_indirect_dma source(%dma_start3A_323 : memref<1000000xf32, #tpu.memory_space<hbm>>) target(%dma_start3A_315 : memref<128xf32, #tpu.memory_space<vmem>>) offsets(%dma_start3A_318 : memref<128xi32, #tpu.memory_space<vmem>>) semaphore(%arg8 : memref<!tpu.dma_semaphore, #tpu.memory_space<semaphore_mem>>)
    %dma_start3A_324 = arith.constant 0 : i32
    %dma_start3A_325 = arith.constant 23 : i32
    %dma_start3A_326 = arith.constant 23 : i32
    %dma_start3A_327 = arith.constant 0 : i32
    %dma_start3A_328 = tpu.memref_slice %arg6[%dma_start3A_326, %dma_start3A_327] : memref<26x128xf32, #tpu.memory_space<vmem>> -> memref<1x128xf32, #tpu.memory_space<vmem>>
    %dma_start3A_329 = tpu.memref_squeeze %dma_start3A_328 : memref<1x128xf32, #tpu.memory_space<vmem>> -> memref<128xf32, #tpu.memory_space<vmem>>
    %dma_start3A_330 = arith.constant 0 : i32
    %dma_start3A_331 = tpu.memref_slice %arg5[%dma_start3A_325, %dma_start3A_330] : memref<26x128xi32, #tpu.memory_space<vmem>> -> memref<1x128xi32, #tpu.memory_space<vmem>>
    %dma_start3A_332 = tpu.memref_squeeze %dma_start3A_331 : memref<1x128xi32, #tpu.memory_space<vmem>> -> memref<128xi32, #tpu.memory_space<vmem>>
    %dma_start3A_333 = arith.constant 0 : i32
    %dma_start3A_334 = tpu.memref_slice %arg3[%dma_start3A_324, %dma_start3A_333] : memref<1x1000000xf32, #tpu.memory_space<hbm>> -> memref<1x1000000xf32, #tpu.memory_space<hbm>>
    %dma_start3A_335 = tpu.memref_squeeze %dma_start3A_334 : memref<1x1000000xf32, #tpu.memory_space<hbm>> -> memref<1000000xf32, #tpu.memory_space<hbm>>
    %dma_start3A_336 = arith.constant 0 : i32
    %dma_start3A_337 = tpu.memref_slice %dma_start3A_335[%dma_start3A_336] : memref<1000000xf32, #tpu.memory_space<hbm>> -> memref<1000000xf32, #tpu.memory_space<hbm>>
    tpu.enqueue_indirect_dma source(%dma_start3A_337 : memref<1000000xf32, #tpu.memory_space<hbm>>) target(%dma_start3A_329 : memref<128xf32, #tpu.memory_space<vmem>>) offsets(%dma_start3A_332 : memref<128xi32, #tpu.memory_space<vmem>>) semaphore(%arg8 : memref<!tpu.dma_semaphore, #tpu.memory_space<semaphore_mem>>)
    %dma_start3A_338 = arith.constant 0 : i32
    %dma_start3A_339 = arith.constant 24 : i32
    %dma_start3A_340 = arith.constant 24 : i32
    %dma_start3A_341 = arith.constant 0 : i32
    %dma_start3A_342 = tpu.memref_slice %arg6[%dma_start3A_340, %dma_start3A_341] : memref<26x128xf32, #tpu.memory_space<vmem>> -> memref<1x128xf32, #tpu.memory_space<vmem>>
    %dma_start3A_343 = tpu.memref_squeeze %dma_start3A_342 : memref<1x128xf32, #tpu.memory_space<vmem>> -> memref<128xf32, #tpu.memory_space<vmem>>
    %dma_start3A_344 = arith.constant 0 : i32
    %dma_start3A_345 = tpu.memref_slice %arg5[%dma_start3A_339, %dma_start3A_344] : memref<26x128xi32, #tpu.memory_space<vmem>> -> memref<1x128xi32, #tpu.memory_space<vmem>>
    %dma_start3A_346 = tpu.memref_squeeze %dma_start3A_345 : memref<1x128xi32, #tpu.memory_space<vmem>> -> memref<128xi32, #tpu.memory_space<vmem>>
    %dma_start3A_347 = arith.constant 0 : i32
    %dma_start3A_348 = tpu.memref_slice %arg3[%dma_start3A_338, %dma_start3A_347] : memref<1x1000000xf32, #tpu.memory_space<hbm>> -> memref<1x1000000xf32, #tpu.memory_space<hbm>>
    %dma_start3A_349 = tpu.memref_squeeze %dma_start3A_348 : memref<1x1000000xf32, #tpu.memory_space<hbm>> -> memref<1000000xf32, #tpu.memory_space<hbm>>
    %dma_start3A_350 = arith.constant 0 : i32
    %dma_start3A_351 = tpu.memref_slice %dma_start3A_349[%dma_start3A_350] : memref<1000000xf32, #tpu.memory_space<hbm>> -> memref<1000000xf32, #tpu.memory_space<hbm>>
    tpu.enqueue_indirect_dma source(%dma_start3A_351 : memref<1000000xf32, #tpu.memory_space<hbm>>) target(%dma_start3A_343 : memref<128xf32, #tpu.memory_space<vmem>>) offsets(%dma_start3A_346 : memref<128xi32, #tpu.memory_space<vmem>>) semaphore(%arg8 : memref<!tpu.dma_semaphore, #tpu.memory_space<semaphore_mem>>)
    %dma_start3A_352 = arith.constant 0 : i32
    %dma_start3A_353 = arith.constant 25 : i32
    %dma_start3A_354 = arith.constant 25 : i32
    %dma_start3A_355 = arith.constant 0 : i32
    %dma_start3A_356 = tpu.memref_slice %arg6[%dma_start3A_354, %dma_start3A_355] : memref<26x128xf32, #tpu.memory_space<vmem>> -> memref<1x128xf32, #tpu.memory_space<vmem>>
    %dma_start3A_357 = tpu.memref_squeeze %dma_start3A_356 : memref<1x128xf32, #tpu.memory_space<vmem>> -> memref<128xf32, #tpu.memory_space<vmem>>
    %dma_start3A_358 = arith.constant 0 : i32
    %dma_start3A_359 = tpu.memref_slice %arg5[%dma_start3A_353, %dma_start3A_358] : memref<26x128xi32, #tpu.memory_space<vmem>> -> memref<1x128xi32, #tpu.memory_space<vmem>>
    %dma_start3A_360 = tpu.memref_squeeze %dma_start3A_359 : memref<1x128xi32, #tpu.memory_space<vmem>> -> memref<128xi32, #tpu.memory_space<vmem>>
    %dma_start3A_361 = arith.constant 0 : i32
    %dma_start3A_362 = tpu.memref_slice %arg3[%dma_start3A_352, %dma_start3A_361] : memref<1x1000000xf32, #tpu.memory_space<hbm>> -> memref<1x1000000xf32, #tpu.memory_space<hbm>>
    %dma_start3A_363 = tpu.memref_squeeze %dma_start3A_362 : memref<1x1000000xf32, #tpu.memory_space<hbm>> -> memref<1000000xf32, #tpu.memory_space<hbm>>
    %dma_start3A_364 = arith.constant 0 : i32
    %dma_start3A_365 = tpu.memref_slice %dma_start3A_363[%dma_start3A_364] : memref<1000000xf32, #tpu.memory_space<hbm>> -> memref<1000000xf32, #tpu.memory_space<hbm>>
    tpu.enqueue_indirect_dma source(%dma_start3A_365 : memref<1000000xf32, #tpu.memory_space<hbm>>) target(%dma_start3A_357 : memref<128xf32, #tpu.memory_space<vmem>>) offsets(%dma_start3A_360 : memref<128xi32, #tpu.memory_space<vmem>>) semaphore(%arg8 : memref<!tpu.dma_semaphore, #tpu.memory_space<semaphore_mem>>)
    %dma_wait3A = arith.constant 0 : i32
    %dma_wait3A_366 = arith.constant 0 : i32
    %dma_wait3A_367 = arith.constant 0 : i32
    %dma_wait3A_368 = arith.constant 0 : i32
    %dma_wait3A_369 = tpu.memref_slice %arg6[%dma_wait3A_367, %dma_wait3A_368] : memref<26x128xf32, #tpu.memory_space<vmem>> -> memref<1x128xf32, #tpu.memory_space<vmem>>
    %dma_wait3A_370 = tpu.memref_squeeze %dma_wait3A_369 : memref<1x128xf32, #tpu.memory_space<vmem>> -> memref<128xf32, #tpu.memory_space<vmem>>
    %dma_wait3A_371 = arith.constant 0 : i32
    %dma_wait3A_372 = tpu.memref_slice %arg5[%dma_wait3A_366, %dma_wait3A_371] : memref<26x128xi32, #tpu.memory_space<vmem>> -> memref<1x128xi32, #tpu.memory_space<vmem>>
    %dma_wait3A_373 = tpu.memref_squeeze %dma_wait3A_372 : memref<1x128xi32, #tpu.memory_space<vmem>> -> memref<128xi32, #tpu.memory_space<vmem>>
    %dma_wait3A_374 = arith.constant 0 : i32
    %dma_wait3A_375 = tpu.memref_slice %arg3[%dma_wait3A, %dma_wait3A_374] : memref<1x1000000xf32, #tpu.memory_space<hbm>> -> memref<1x1000000xf32, #tpu.memory_space<hbm>>
    %dma_wait3A_376 = tpu.memref_squeeze %dma_wait3A_375 : memref<1x1000000xf32, #tpu.memory_space<hbm>> -> memref<1000000xf32, #tpu.memory_space<hbm>>
    %dma_wait3A_377 = arith.constant 0 : i32
    %dma_wait3A_378 = tpu.memref_slice %dma_wait3A_376[%dma_wait3A_377] : memref<1000000xf32, #tpu.memory_space<hbm>> -> memref<1000000xf32, #tpu.memory_space<hbm>>
    tpu.wait_indirect_dma semaphore(%arg8 : memref<!tpu.dma_semaphore, #tpu.memory_space<semaphore_mem>>) src(%dma_wait3A_378 : memref<1000000xf32, #tpu.memory_space<hbm>>) dst(%dma_wait3A_370 : memref<128xf32, #tpu.memory_space<vmem>>)
    %dma_wait3A_379 = arith.constant 0 : i32
    %dma_wait3A_380 = arith.constant 1 : i32
    %dma_wait3A_381 = arith.constant 1 : i32
    %dma_wait3A_382 = arith.constant 0 : i32
    %dma_wait3A_383 = tpu.memref_slice %arg6[%dma_wait3A_381, %dma_wait3A_382] : memref<26x128xf32, #tpu.memory_space<vmem>> -> memref<1x128xf32, #tpu.memory_space<vmem>>
    %dma_wait3A_384 = tpu.memref_squeeze %dma_wait3A_383 : memref<1x128xf32, #tpu.memory_space<vmem>> -> memref<128xf32, #tpu.memory_space<vmem>>
    %dma_wait3A_385 = arith.constant 0 : i32
    %dma_wait3A_386 = tpu.memref_slice %arg5[%dma_wait3A_380, %dma_wait3A_385] : memref<26x128xi32, #tpu.memory_space<vmem>> -> memref<1x128xi32, #tpu.memory_space<vmem>>
    %dma_wait3A_387 = tpu.memref_squeeze %dma_wait3A_386 : memref<1x128xi32, #tpu.memory_space<vmem>> -> memref<128xi32, #tpu.memory_space<vmem>>
    %dma_wait3A_388 = arith.constant 0 : i32
    %dma_wait3A_389 = tpu.memref_slice %arg3[%dma_wait3A_379, %dma_wait3A_388] : memref<1x1000000xf32, #tpu.memory_space<hbm>> -> memref<1x1000000xf32, #tpu.memory_space<hbm>>
    %dma_wait3A_390 = tpu.memref_squeeze %dma_wait3A_389 : memref<1x1000000xf32, #tpu.memory_space<hbm>> -> memref<1000000xf32, #tpu.memory_space<hbm>>
    %dma_wait3A_391 = arith.constant 0 : i32
    %dma_wait3A_392 = tpu.memref_slice %dma_wait3A_390[%dma_wait3A_391] : memref<1000000xf32, #tpu.memory_space<hbm>> -> memref<1000000xf32, #tpu.memory_space<hbm>>
    tpu.wait_indirect_dma semaphore(%arg8 : memref<!tpu.dma_semaphore, #tpu.memory_space<semaphore_mem>>) src(%dma_wait3A_392 : memref<1000000xf32, #tpu.memory_space<hbm>>) dst(%dma_wait3A_384 : memref<128xf32, #tpu.memory_space<vmem>>)
    %dma_wait3A_393 = arith.constant 0 : i32
    %dma_wait3A_394 = arith.constant 2 : i32
    %dma_wait3A_395 = arith.constant 2 : i32
    %dma_wait3A_396 = arith.constant 0 : i32
    %dma_wait3A_397 = tpu.memref_slice %arg6[%dma_wait3A_395, %dma_wait3A_396] : memref<26x128xf32, #tpu.memory_space<vmem>> -> memref<1x128xf32, #tpu.memory_space<vmem>>
    %dma_wait3A_398 = tpu.memref_squeeze %dma_wait3A_397 : memref<1x128xf32, #tpu.memory_space<vmem>> -> memref<128xf32, #tpu.memory_space<vmem>>
    %dma_wait3A_399 = arith.constant 0 : i32
    %dma_wait3A_400 = tpu.memref_slice %arg5[%dma_wait3A_394, %dma_wait3A_399] : memref<26x128xi32, #tpu.memory_space<vmem>> -> memref<1x128xi32, #tpu.memory_space<vmem>>
    %dma_wait3A_401 = tpu.memref_squeeze %dma_wait3A_400 : memref<1x128xi32, #tpu.memory_space<vmem>> -> memref<128xi32, #tpu.memory_space<vmem>>
    %dma_wait3A_402 = arith.constant 0 : i32
    %dma_wait3A_403 = tpu.memref_slice %arg3[%dma_wait3A_393, %dma_wait3A_402] : memref<1x1000000xf32, #tpu.memory_space<hbm>> -> memref<1x1000000xf32, #tpu.memory_space<hbm>>
    %dma_wait3A_404 = tpu.memref_squeeze %dma_wait3A_403 : memref<1x1000000xf32, #tpu.memory_space<hbm>> -> memref<1000000xf32, #tpu.memory_space<hbm>>
    %dma_wait3A_405 = arith.constant 0 : i32
    %dma_wait3A_406 = tpu.memref_slice %dma_wait3A_404[%dma_wait3A_405] : memref<1000000xf32, #tpu.memory_space<hbm>> -> memref<1000000xf32, #tpu.memory_space<hbm>>
    tpu.wait_indirect_dma semaphore(%arg8 : memref<!tpu.dma_semaphore, #tpu.memory_space<semaphore_mem>>) src(%dma_wait3A_406 : memref<1000000xf32, #tpu.memory_space<hbm>>) dst(%dma_wait3A_398 : memref<128xf32, #tpu.memory_space<vmem>>)
    %dma_wait3A_407 = arith.constant 0 : i32
    %dma_wait3A_408 = arith.constant 3 : i32
    %dma_wait3A_409 = arith.constant 3 : i32
    %dma_wait3A_410 = arith.constant 0 : i32
    %dma_wait3A_411 = tpu.memref_slice %arg6[%dma_wait3A_409, %dma_wait3A_410] : memref<26x128xf32, #tpu.memory_space<vmem>> -> memref<1x128xf32, #tpu.memory_space<vmem>>
    %dma_wait3A_412 = tpu.memref_squeeze %dma_wait3A_411 : memref<1x128xf32, #tpu.memory_space<vmem>> -> memref<128xf32, #tpu.memory_space<vmem>>
    %dma_wait3A_413 = arith.constant 0 : i32
    %dma_wait3A_414 = tpu.memref_slice %arg5[%dma_wait3A_408, %dma_wait3A_413] : memref<26x128xi32, #tpu.memory_space<vmem>> -> memref<1x128xi32, #tpu.memory_space<vmem>>
    %dma_wait3A_415 = tpu.memref_squeeze %dma_wait3A_414 : memref<1x128xi32, #tpu.memory_space<vmem>> -> memref<128xi32, #tpu.memory_space<vmem>>
    %dma_wait3A_416 = arith.constant 0 : i32
    %dma_wait3A_417 = tpu.memref_slice %arg3[%dma_wait3A_407, %dma_wait3A_416] : memref<1x1000000xf32, #tpu.memory_space<hbm>> -> memref<1x1000000xf32, #tpu.memory_space<hbm>>
    %dma_wait3A_418 = tpu.memref_squeeze %dma_wait3A_417 : memref<1x1000000xf32, #tpu.memory_space<hbm>> -> memref<1000000xf32, #tpu.memory_space<hbm>>
    %dma_wait3A_419 = arith.constant 0 : i32
    %dma_wait3A_420 = tpu.memref_slice %dma_wait3A_418[%dma_wait3A_419] : memref<1000000xf32, #tpu.memory_space<hbm>> -> memref<1000000xf32, #tpu.memory_space<hbm>>
    tpu.wait_indirect_dma semaphore(%arg8 : memref<!tpu.dma_semaphore, #tpu.memory_space<semaphore_mem>>) src(%dma_wait3A_420 : memref<1000000xf32, #tpu.memory_space<hbm>>) dst(%dma_wait3A_412 : memref<128xf32, #tpu.memory_space<vmem>>)
    %dma_wait3A_421 = arith.constant 0 : i32
    %dma_wait3A_422 = arith.constant 4 : i32
    %dma_wait3A_423 = arith.constant 4 : i32
    %dma_wait3A_424 = arith.constant 0 : i32
    %dma_wait3A_425 = tpu.memref_slice %arg6[%dma_wait3A_423, %dma_wait3A_424] : memref<26x128xf32, #tpu.memory_space<vmem>> -> memref<1x128xf32, #tpu.memory_space<vmem>>
    %dma_wait3A_426 = tpu.memref_squeeze %dma_wait3A_425 : memref<1x128xf32, #tpu.memory_space<vmem>> -> memref<128xf32, #tpu.memory_space<vmem>>
    %dma_wait3A_427 = arith.constant 0 : i32
    %dma_wait3A_428 = tpu.memref_slice %arg5[%dma_wait3A_422, %dma_wait3A_427] : memref<26x128xi32, #tpu.memory_space<vmem>> -> memref<1x128xi32, #tpu.memory_space<vmem>>
    %dma_wait3A_429 = tpu.memref_squeeze %dma_wait3A_428 : memref<1x128xi32, #tpu.memory_space<vmem>> -> memref<128xi32, #tpu.memory_space<vmem>>
    %dma_wait3A_430 = arith.constant 0 : i32
    %dma_wait3A_431 = tpu.memref_slice %arg3[%dma_wait3A_421, %dma_wait3A_430] : memref<1x1000000xf32, #tpu.memory_space<hbm>> -> memref<1x1000000xf32, #tpu.memory_space<hbm>>
    %dma_wait3A_432 = tpu.memref_squeeze %dma_wait3A_431 : memref<1x1000000xf32, #tpu.memory_space<hbm>> -> memref<1000000xf32, #tpu.memory_space<hbm>>
    %dma_wait3A_433 = arith.constant 0 : i32
    %dma_wait3A_434 = tpu.memref_slice %dma_wait3A_432[%dma_wait3A_433] : memref<1000000xf32, #tpu.memory_space<hbm>> -> memref<1000000xf32, #tpu.memory_space<hbm>>
    tpu.wait_indirect_dma semaphore(%arg8 : memref<!tpu.dma_semaphore, #tpu.memory_space<semaphore_mem>>) src(%dma_wait3A_434 : memref<1000000xf32, #tpu.memory_space<hbm>>) dst(%dma_wait3A_426 : memref<128xf32, #tpu.memory_space<vmem>>)
    %dma_wait3A_435 = arith.constant 0 : i32
    %dma_wait3A_436 = arith.constant 5 : i32
    %dma_wait3A_437 = arith.constant 5 : i32
    %dma_wait3A_438 = arith.constant 0 : i32
    %dma_wait3A_439 = tpu.memref_slice %arg6[%dma_wait3A_437, %dma_wait3A_438] : memref<26x128xf32, #tpu.memory_space<vmem>> -> memref<1x128xf32, #tpu.memory_space<vmem>>
    %dma_wait3A_440 = tpu.memref_squeeze %dma_wait3A_439 : memref<1x128xf32, #tpu.memory_space<vmem>> -> memref<128xf32, #tpu.memory_space<vmem>>
    %dma_wait3A_441 = arith.constant 0 : i32
    %dma_wait3A_442 = tpu.memref_slice %arg5[%dma_wait3A_436, %dma_wait3A_441] : memref<26x128xi32, #tpu.memory_space<vmem>> -> memref<1x128xi32, #tpu.memory_space<vmem>>
    %dma_wait3A_443 = tpu.memref_squeeze %dma_wait3A_442 : memref<1x128xi32, #tpu.memory_space<vmem>> -> memref<128xi32, #tpu.memory_space<vmem>>
    %dma_wait3A_444 = arith.constant 0 : i32
    %dma_wait3A_445 = tpu.memref_slice %arg3[%dma_wait3A_435, %dma_wait3A_444] : memref<1x1000000xf32, #tpu.memory_space<hbm>> -> memref<1x1000000xf32, #tpu.memory_space<hbm>>
    %dma_wait3A_446 = tpu.memref_squeeze %dma_wait3A_445 : memref<1x1000000xf32, #tpu.memory_space<hbm>> -> memref<1000000xf32, #tpu.memory_space<hbm>>
    %dma_wait3A_447 = arith.constant 0 : i32
    %dma_wait3A_448 = tpu.memref_slice %dma_wait3A_446[%dma_wait3A_447] : memref<1000000xf32, #tpu.memory_space<hbm>> -> memref<1000000xf32, #tpu.memory_space<hbm>>
    tpu.wait_indirect_dma semaphore(%arg8 : memref<!tpu.dma_semaphore, #tpu.memory_space<semaphore_mem>>) src(%dma_wait3A_448 : memref<1000000xf32, #tpu.memory_space<hbm>>) dst(%dma_wait3A_440 : memref<128xf32, #tpu.memory_space<vmem>>)
    %dma_wait3A_449 = arith.constant 0 : i32
    %dma_wait3A_450 = arith.constant 6 : i32
    %dma_wait3A_451 = arith.constant 6 : i32
    %dma_wait3A_452 = arith.constant 0 : i32
    %dma_wait3A_453 = tpu.memref_slice %arg6[%dma_wait3A_451, %dma_wait3A_452] : memref<26x128xf32, #tpu.memory_space<vmem>> -> memref<1x128xf32, #tpu.memory_space<vmem>>
    %dma_wait3A_454 = tpu.memref_squeeze %dma_wait3A_453 : memref<1x128xf32, #tpu.memory_space<vmem>> -> memref<128xf32, #tpu.memory_space<vmem>>
    %dma_wait3A_455 = arith.constant 0 : i32
    %dma_wait3A_456 = tpu.memref_slice %arg5[%dma_wait3A_450, %dma_wait3A_455] : memref<26x128xi32, #tpu.memory_space<vmem>> -> memref<1x128xi32, #tpu.memory_space<vmem>>
    %dma_wait3A_457 = tpu.memref_squeeze %dma_wait3A_456 : memref<1x128xi32, #tpu.memory_space<vmem>> -> memref<128xi32, #tpu.memory_space<vmem>>
    %dma_wait3A_458 = arith.constant 0 : i32
    %dma_wait3A_459 = tpu.memref_slice %arg3[%dma_wait3A_449, %dma_wait3A_458] : memref<1x1000000xf32, #tpu.memory_space<hbm>> -> memref<1x1000000xf32, #tpu.memory_space<hbm>>
    %dma_wait3A_460 = tpu.memref_squeeze %dma_wait3A_459 : memref<1x1000000xf32, #tpu.memory_space<hbm>> -> memref<1000000xf32, #tpu.memory_space<hbm>>
    %dma_wait3A_461 = arith.constant 0 : i32
    %dma_wait3A_462 = tpu.memref_slice %dma_wait3A_460[%dma_wait3A_461] : memref<1000000xf32, #tpu.memory_space<hbm>> -> memref<1000000xf32, #tpu.memory_space<hbm>>
    tpu.wait_indirect_dma semaphore(%arg8 : memref<!tpu.dma_semaphore, #tpu.memory_space<semaphore_mem>>) src(%dma_wait3A_462 : memref<1000000xf32, #tpu.memory_space<hbm>>) dst(%dma_wait3A_454 : memref<128xf32, #tpu.memory_space<vmem>>)
    %dma_wait3A_463 = arith.constant 0 : i32
    %dma_wait3A_464 = arith.constant 7 : i32
    %dma_wait3A_465 = arith.constant 7 : i32
    %dma_wait3A_466 = arith.constant 0 : i32
    %dma_wait3A_467 = tpu.memref_slice %arg6[%dma_wait3A_465, %dma_wait3A_466] : memref<26x128xf32, #tpu.memory_space<vmem>> -> memref<1x128xf32, #tpu.memory_space<vmem>>
    %dma_wait3A_468 = tpu.memref_squeeze %dma_wait3A_467 : memref<1x128xf32, #tpu.memory_space<vmem>> -> memref<128xf32, #tpu.memory_space<vmem>>
    %dma_wait3A_469 = arith.constant 0 : i32
    %dma_wait3A_470 = tpu.memref_slice %arg5[%dma_wait3A_464, %dma_wait3A_469] : memref<26x128xi32, #tpu.memory_space<vmem>> -> memref<1x128xi32, #tpu.memory_space<vmem>>
    %dma_wait3A_471 = tpu.memref_squeeze %dma_wait3A_470 : memref<1x128xi32, #tpu.memory_space<vmem>> -> memref<128xi32, #tpu.memory_space<vmem>>
    %dma_wait3A_472 = arith.constant 0 : i32
    %dma_wait3A_473 = tpu.memref_slice %arg3[%dma_wait3A_463, %dma_wait3A_472] : memref<1x1000000xf32, #tpu.memory_space<hbm>> -> memref<1x1000000xf32, #tpu.memory_space<hbm>>
    %dma_wait3A_474 = tpu.memref_squeeze %dma_wait3A_473 : memref<1x1000000xf32, #tpu.memory_space<hbm>> -> memref<1000000xf32, #tpu.memory_space<hbm>>
    %dma_wait3A_475 = arith.constant 0 : i32
    %dma_wait3A_476 = tpu.memref_slice %dma_wait3A_474[%dma_wait3A_475] : memref<1000000xf32, #tpu.memory_space<hbm>> -> memref<1000000xf32, #tpu.memory_space<hbm>>
    tpu.wait_indirect_dma semaphore(%arg8 : memref<!tpu.dma_semaphore, #tpu.memory_space<semaphore_mem>>) src(%dma_wait3A_476 : memref<1000000xf32, #tpu.memory_space<hbm>>) dst(%dma_wait3A_468 : memref<128xf32, #tpu.memory_space<vmem>>)
    %dma_wait3A_477 = arith.constant 0 : i32
    %dma_wait3A_478 = arith.constant 8 : i32
    %dma_wait3A_479 = arith.constant 8 : i32
    %dma_wait3A_480 = arith.constant 0 : i32
    %dma_wait3A_481 = tpu.memref_slice %arg6[%dma_wait3A_479, %dma_wait3A_480] : memref<26x128xf32, #tpu.memory_space<vmem>> -> memref<1x128xf32, #tpu.memory_space<vmem>>
    %dma_wait3A_482 = tpu.memref_squeeze %dma_wait3A_481 : memref<1x128xf32, #tpu.memory_space<vmem>> -> memref<128xf32, #tpu.memory_space<vmem>>
    %dma_wait3A_483 = arith.constant 0 : i32
    %dma_wait3A_484 = tpu.memref_slice %arg5[%dma_wait3A_478, %dma_wait3A_483] : memref<26x128xi32, #tpu.memory_space<vmem>> -> memref<1x128xi32, #tpu.memory_space<vmem>>
    %dma_wait3A_485 = tpu.memref_squeeze %dma_wait3A_484 : memref<1x128xi32, #tpu.memory_space<vmem>> -> memref<128xi32, #tpu.memory_space<vmem>>
    %dma_wait3A_486 = arith.constant 0 : i32
    %dma_wait3A_487 = tpu.memref_slice %arg3[%dma_wait3A_477, %dma_wait3A_486] : memref<1x1000000xf32, #tpu.memory_space<hbm>> -> memref<1x1000000xf32, #tpu.memory_space<hbm>>
    %dma_wait3A_488 = tpu.memref_squeeze %dma_wait3A_487 : memref<1x1000000xf32, #tpu.memory_space<hbm>> -> memref<1000000xf32, #tpu.memory_space<hbm>>
    %dma_wait3A_489 = arith.constant 0 : i32
    %dma_wait3A_490 = tpu.memref_slice %dma_wait3A_488[%dma_wait3A_489] : memref<1000000xf32, #tpu.memory_space<hbm>> -> memref<1000000xf32, #tpu.memory_space<hbm>>
    tpu.wait_indirect_dma semaphore(%arg8 : memref<!tpu.dma_semaphore, #tpu.memory_space<semaphore_mem>>) src(%dma_wait3A_490 : memref<1000000xf32, #tpu.memory_space<hbm>>) dst(%dma_wait3A_482 : memref<128xf32, #tpu.memory_space<vmem>>)
    %dma_wait3A_491 = arith.constant 0 : i32
    %dma_wait3A_492 = arith.constant 9 : i32
    %dma_wait3A_493 = arith.constant 9 : i32
    %dma_wait3A_494 = arith.constant 0 : i32
    %dma_wait3A_495 = tpu.memref_slice %arg6[%dma_wait3A_493, %dma_wait3A_494] : memref<26x128xf32, #tpu.memory_space<vmem>> -> memref<1x128xf32, #tpu.memory_space<vmem>>
    %dma_wait3A_496 = tpu.memref_squeeze %dma_wait3A_495 : memref<1x128xf32, #tpu.memory_space<vmem>> -> memref<128xf32, #tpu.memory_space<vmem>>
    %dma_wait3A_497 = arith.constant 0 : i32
    %dma_wait3A_498 = tpu.memref_slice %arg5[%dma_wait3A_492, %dma_wait3A_497] : memref<26x128xi32, #tpu.memory_space<vmem>> -> memref<1x128xi32, #tpu.memory_space<vmem>>
    %dma_wait3A_499 = tpu.memref_squeeze %dma_wait3A_498 : memref<1x128xi32, #tpu.memory_space<vmem>> -> memref<128xi32, #tpu.memory_space<vmem>>
    %dma_wait3A_500 = arith.constant 0 : i32
    %dma_wait3A_501 = tpu.memref_slice %arg3[%dma_wait3A_491, %dma_wait3A_500] : memref<1x1000000xf32, #tpu.memory_space<hbm>> -> memref<1x1000000xf32, #tpu.memory_space<hbm>>
    %dma_wait3A_502 = tpu.memref_squeeze %dma_wait3A_501 : memref<1x1000000xf32, #tpu.memory_space<hbm>> -> memref<1000000xf32, #tpu.memory_space<hbm>>
    %dma_wait3A_503 = arith.constant 0 : i32
    %dma_wait3A_504 = tpu.memref_slice %dma_wait3A_502[%dma_wait3A_503] : memref<1000000xf32, #tpu.memory_space<hbm>> -> memref<1000000xf32, #tpu.memory_space<hbm>>
    tpu.wait_indirect_dma semaphore(%arg8 : memref<!tpu.dma_semaphore, #tpu.memory_space<semaphore_mem>>) src(%dma_wait3A_504 : memref<1000000xf32, #tpu.memory_space<hbm>>) dst(%dma_wait3A_496 : memref<128xf32, #tpu.memory_space<vmem>>)
    %dma_wait3A_505 = arith.constant 0 : i32
    %dma_wait3A_506 = arith.constant 10 : i32
    %dma_wait3A_507 = arith.constant 10 : i32
    %dma_wait3A_508 = arith.constant 0 : i32
    %dma_wait3A_509 = tpu.memref_slice %arg6[%dma_wait3A_507, %dma_wait3A_508] : memref<26x128xf32, #tpu.memory_space<vmem>> -> memref<1x128xf32, #tpu.memory_space<vmem>>
    %dma_wait3A_510 = tpu.memref_squeeze %dma_wait3A_509 : memref<1x128xf32, #tpu.memory_space<vmem>> -> memref<128xf32, #tpu.memory_space<vmem>>
    %dma_wait3A_511 = arith.constant 0 : i32
    %dma_wait3A_512 = tpu.memref_slice %arg5[%dma_wait3A_506, %dma_wait3A_511] : memref<26x128xi32, #tpu.memory_space<vmem>> -> memref<1x128xi32, #tpu.memory_space<vmem>>
    %dma_wait3A_513 = tpu.memref_squeeze %dma_wait3A_512 : memref<1x128xi32, #tpu.memory_space<vmem>> -> memref<128xi32, #tpu.memory_space<vmem>>
    %dma_wait3A_514 = arith.constant 0 : i32
    %dma_wait3A_515 = tpu.memref_slice %arg3[%dma_wait3A_505, %dma_wait3A_514] : memref<1x1000000xf32, #tpu.memory_space<hbm>> -> memref<1x1000000xf32, #tpu.memory_space<hbm>>
    %dma_wait3A_516 = tpu.memref_squeeze %dma_wait3A_515 : memref<1x1000000xf32, #tpu.memory_space<hbm>> -> memref<1000000xf32, #tpu.memory_space<hbm>>
    %dma_wait3A_517 = arith.constant 0 : i32
    %dma_wait3A_518 = tpu.memref_slice %dma_wait3A_516[%dma_wait3A_517] : memref<1000000xf32, #tpu.memory_space<hbm>> -> memref<1000000xf32, #tpu.memory_space<hbm>>
    tpu.wait_indirect_dma semaphore(%arg8 : memref<!tpu.dma_semaphore, #tpu.memory_space<semaphore_mem>>) src(%dma_wait3A_518 : memref<1000000xf32, #tpu.memory_space<hbm>>) dst(%dma_wait3A_510 : memref<128xf32, #tpu.memory_space<vmem>>)
    %dma_wait3A_519 = arith.constant 0 : i32
    %dma_wait3A_520 = arith.constant 11 : i32
    %dma_wait3A_521 = arith.constant 11 : i32
    %dma_wait3A_522 = arith.constant 0 : i32
    %dma_wait3A_523 = tpu.memref_slice %arg6[%dma_wait3A_521, %dma_wait3A_522] : memref<26x128xf32, #tpu.memory_space<vmem>> -> memref<1x128xf32, #tpu.memory_space<vmem>>
    %dma_wait3A_524 = tpu.memref_squeeze %dma_wait3A_523 : memref<1x128xf32, #tpu.memory_space<vmem>> -> memref<128xf32, #tpu.memory_space<vmem>>
    %dma_wait3A_525 = arith.constant 0 : i32
    %dma_wait3A_526 = tpu.memref_slice %arg5[%dma_wait3A_520, %dma_wait3A_525] : memref<26x128xi32, #tpu.memory_space<vmem>> -> memref<1x128xi32, #tpu.memory_space<vmem>>
    %dma_wait3A_527 = tpu.memref_squeeze %dma_wait3A_526 : memref<1x128xi32, #tpu.memory_space<vmem>> -> memref<128xi32, #tpu.memory_space<vmem>>
    %dma_wait3A_528 = arith.constant 0 : i32
    %dma_wait3A_529 = tpu.memref_slice %arg3[%dma_wait3A_519, %dma_wait3A_528] : memref<1x1000000xf32, #tpu.memory_space<hbm>> -> memref<1x1000000xf32, #tpu.memory_space<hbm>>
    %dma_wait3A_530 = tpu.memref_squeeze %dma_wait3A_529 : memref<1x1000000xf32, #tpu.memory_space<hbm>> -> memref<1000000xf32, #tpu.memory_space<hbm>>
    %dma_wait3A_531 = arith.constant 0 : i32
    %dma_wait3A_532 = tpu.memref_slice %dma_wait3A_530[%dma_wait3A_531] : memref<1000000xf32, #tpu.memory_space<hbm>> -> memref<1000000xf32, #tpu.memory_space<hbm>>
    tpu.wait_indirect_dma semaphore(%arg8 : memref<!tpu.dma_semaphore, #tpu.memory_space<semaphore_mem>>) src(%dma_wait3A_532 : memref<1000000xf32, #tpu.memory_space<hbm>>) dst(%dma_wait3A_524 : memref<128xf32, #tpu.memory_space<vmem>>)
    %dma_wait3A_533 = arith.constant 0 : i32
    %dma_wait3A_534 = arith.constant 12 : i32
    %dma_wait3A_535 = arith.constant 12 : i32
    %dma_wait3A_536 = arith.constant 0 : i32
    %dma_wait3A_537 = tpu.memref_slice %arg6[%dma_wait3A_535, %dma_wait3A_536] : memref<26x128xf32, #tpu.memory_space<vmem>> -> memref<1x128xf32, #tpu.memory_space<vmem>>
    %dma_wait3A_538 = tpu.memref_squeeze %dma_wait3A_537 : memref<1x128xf32, #tpu.memory_space<vmem>> -> memref<128xf32, #tpu.memory_space<vmem>>
    %dma_wait3A_539 = arith.constant 0 : i32
    %dma_wait3A_540 = tpu.memref_slice %arg5[%dma_wait3A_534, %dma_wait3A_539] : memref<26x128xi32, #tpu.memory_space<vmem>> -> memref<1x128xi32, #tpu.memory_space<vmem>>
    %dma_wait3A_541 = tpu.memref_squeeze %dma_wait3A_540 : memref<1x128xi32, #tpu.memory_space<vmem>> -> memref<128xi32, #tpu.memory_space<vmem>>
    %dma_wait3A_542 = arith.constant 0 : i32
    %dma_wait3A_543 = tpu.memref_slice %arg3[%dma_wait3A_533, %dma_wait3A_542] : memref<1x1000000xf32, #tpu.memory_space<hbm>> -> memref<1x1000000xf32, #tpu.memory_space<hbm>>
    %dma_wait3A_544 = tpu.memref_squeeze %dma_wait3A_543 : memref<1x1000000xf32, #tpu.memory_space<hbm>> -> memref<1000000xf32, #tpu.memory_space<hbm>>
    %dma_wait3A_545 = arith.constant 0 : i32
    %dma_wait3A_546 = tpu.memref_slice %dma_wait3A_544[%dma_wait3A_545] : memref<1000000xf32, #tpu.memory_space<hbm>> -> memref<1000000xf32, #tpu.memory_space<hbm>>
    tpu.wait_indirect_dma semaphore(%arg8 : memref<!tpu.dma_semaphore, #tpu.memory_space<semaphore_mem>>) src(%dma_wait3A_546 : memref<1000000xf32, #tpu.memory_space<hbm>>) dst(%dma_wait3A_538 : memref<128xf32, #tpu.memory_space<vmem>>)
    %dma_wait3A_547 = arith.constant 0 : i32
    %dma_wait3A_548 = arith.constant 13 : i32
    %dma_wait3A_549 = arith.constant 13 : i32
    %dma_wait3A_550 = arith.constant 0 : i32
    %dma_wait3A_551 = tpu.memref_slice %arg6[%dma_wait3A_549, %dma_wait3A_550] : memref<26x128xf32, #tpu.memory_space<vmem>> -> memref<1x128xf32, #tpu.memory_space<vmem>>
    %dma_wait3A_552 = tpu.memref_squeeze %dma_wait3A_551 : memref<1x128xf32, #tpu.memory_space<vmem>> -> memref<128xf32, #tpu.memory_space<vmem>>
    %dma_wait3A_553 = arith.constant 0 : i32
    %dma_wait3A_554 = tpu.memref_slice %arg5[%dma_wait3A_548, %dma_wait3A_553] : memref<26x128xi32, #tpu.memory_space<vmem>> -> memref<1x128xi32, #tpu.memory_space<vmem>>
    %dma_wait3A_555 = tpu.memref_squeeze %dma_wait3A_554 : memref<1x128xi32, #tpu.memory_space<vmem>> -> memref<128xi32, #tpu.memory_space<vmem>>
    %dma_wait3A_556 = arith.constant 0 : i32
    %dma_wait3A_557 = tpu.memref_slice %arg3[%dma_wait3A_547, %dma_wait3A_556] : memref<1x1000000xf32, #tpu.memory_space<hbm>> -> memref<1x1000000xf32, #tpu.memory_space<hbm>>
    %dma_wait3A_558 = tpu.memref_squeeze %dma_wait3A_557 : memref<1x1000000xf32, #tpu.memory_space<hbm>> -> memref<1000000xf32, #tpu.memory_space<hbm>>
    %dma_wait3A_559 = arith.constant 0 : i32
    %dma_wait3A_560 = tpu.memref_slice %dma_wait3A_558[%dma_wait3A_559] : memref<1000000xf32, #tpu.memory_space<hbm>> -> memref<1000000xf32, #tpu.memory_space<hbm>>
    tpu.wait_indirect_dma semaphore(%arg8 : memref<!tpu.dma_semaphore, #tpu.memory_space<semaphore_mem>>) src(%dma_wait3A_560 : memref<1000000xf32, #tpu.memory_space<hbm>>) dst(%dma_wait3A_552 : memref<128xf32, #tpu.memory_space<vmem>>)
    %dma_wait3A_561 = arith.constant 0 : i32
    %dma_wait3A_562 = arith.constant 14 : i32
    %dma_wait3A_563 = arith.constant 14 : i32
    %dma_wait3A_564 = arith.constant 0 : i32
    %dma_wait3A_565 = tpu.memref_slice %arg6[%dma_wait3A_563, %dma_wait3A_564] : memref<26x128xf32, #tpu.memory_space<vmem>> -> memref<1x128xf32, #tpu.memory_space<vmem>>
    %dma_wait3A_566 = tpu.memref_squeeze %dma_wait3A_565 : memref<1x128xf32, #tpu.memory_space<vmem>> -> memref<128xf32, #tpu.memory_space<vmem>>
    %dma_wait3A_567 = arith.constant 0 : i32
    %dma_wait3A_568 = tpu.memref_slice %arg5[%dma_wait3A_562, %dma_wait3A_567] : memref<26x128xi32, #tpu.memory_space<vmem>> -> memref<1x128xi32, #tpu.memory_space<vmem>>
    %dma_wait3A_569 = tpu.memref_squeeze %dma_wait3A_568 : memref<1x128xi32, #tpu.memory_space<vmem>> -> memref<128xi32, #tpu.memory_space<vmem>>
    %dma_wait3A_570 = arith.constant 0 : i32
    %dma_wait3A_571 = tpu.memref_slice %arg3[%dma_wait3A_561, %dma_wait3A_570] : memref<1x1000000xf32, #tpu.memory_space<hbm>> -> memref<1x1000000xf32, #tpu.memory_space<hbm>>
    %dma_wait3A_572 = tpu.memref_squeeze %dma_wait3A_571 : memref<1x1000000xf32, #tpu.memory_space<hbm>> -> memref<1000000xf32, #tpu.memory_space<hbm>>
    %dma_wait3A_573 = arith.constant 0 : i32
    %dma_wait3A_574 = tpu.memref_slice %dma_wait3A_572[%dma_wait3A_573] : memref<1000000xf32, #tpu.memory_space<hbm>> -> memref<1000000xf32, #tpu.memory_space<hbm>>
    tpu.wait_indirect_dma semaphore(%arg8 : memref<!tpu.dma_semaphore, #tpu.memory_space<semaphore_mem>>) src(%dma_wait3A_574 : memref<1000000xf32, #tpu.memory_space<hbm>>) dst(%dma_wait3A_566 : memref<128xf32, #tpu.memory_space<vmem>>)
    %dma_wait3A_575 = arith.constant 0 : i32
    %dma_wait3A_576 = arith.constant 15 : i32
    %dma_wait3A_577 = arith.constant 15 : i32
    %dma_wait3A_578 = arith.constant 0 : i32
    %dma_wait3A_579 = tpu.memref_slice %arg6[%dma_wait3A_577, %dma_wait3A_578] : memref<26x128xf32, #tpu.memory_space<vmem>> -> memref<1x128xf32, #tpu.memory_space<vmem>>
    %dma_wait3A_580 = tpu.memref_squeeze %dma_wait3A_579 : memref<1x128xf32, #tpu.memory_space<vmem>> -> memref<128xf32, #tpu.memory_space<vmem>>
    %dma_wait3A_581 = arith.constant 0 : i32
    %dma_wait3A_582 = tpu.memref_slice %arg5[%dma_wait3A_576, %dma_wait3A_581] : memref<26x128xi32, #tpu.memory_space<vmem>> -> memref<1x128xi32, #tpu.memory_space<vmem>>
    %dma_wait3A_583 = tpu.memref_squeeze %dma_wait3A_582 : memref<1x128xi32, #tpu.memory_space<vmem>> -> memref<128xi32, #tpu.memory_space<vmem>>
    %dma_wait3A_584 = arith.constant 0 : i32
    %dma_wait3A_585 = tpu.memref_slice %arg3[%dma_wait3A_575, %dma_wait3A_584] : memref<1x1000000xf32, #tpu.memory_space<hbm>> -> memref<1x1000000xf32, #tpu.memory_space<hbm>>
    %dma_wait3A_586 = tpu.memref_squeeze %dma_wait3A_585 : memref<1x1000000xf32, #tpu.memory_space<hbm>> -> memref<1000000xf32, #tpu.memory_space<hbm>>
    %dma_wait3A_587 = arith.constant 0 : i32
    %dma_wait3A_588 = tpu.memref_slice %dma_wait3A_586[%dma_wait3A_587] : memref<1000000xf32, #tpu.memory_space<hbm>> -> memref<1000000xf32, #tpu.memory_space<hbm>>
    tpu.wait_indirect_dma semaphore(%arg8 : memref<!tpu.dma_semaphore, #tpu.memory_space<semaphore_mem>>) src(%dma_wait3A_588 : memref<1000000xf32, #tpu.memory_space<hbm>>) dst(%dma_wait3A_580 : memref<128xf32, #tpu.memory_space<vmem>>)
    %dma_wait3A_589 = arith.constant 0 : i32
    %dma_wait3A_590 = arith.constant 16 : i32
    %dma_wait3A_591 = arith.constant 16 : i32
    %dma_wait3A_592 = arith.constant 0 : i32
    %dma_wait3A_593 = tpu.memref_slice %arg6[%dma_wait3A_591, %dma_wait3A_592] : memref<26x128xf32, #tpu.memory_space<vmem>> -> memref<1x128xf32, #tpu.memory_space<vmem>>
    %dma_wait3A_594 = tpu.memref_squeeze %dma_wait3A_593 : memref<1x128xf32, #tpu.memory_space<vmem>> -> memref<128xf32, #tpu.memory_space<vmem>>
    %dma_wait3A_595 = arith.constant 0 : i32
    %dma_wait3A_596 = tpu.memref_slice %arg5[%dma_wait3A_590, %dma_wait3A_595] : memref<26x128xi32, #tpu.memory_space<vmem>> -> memref<1x128xi32, #tpu.memory_space<vmem>>
    %dma_wait3A_597 = tpu.memref_squeeze %dma_wait3A_596 : memref<1x128xi32, #tpu.memory_space<vmem>> -> memref<128xi32, #tpu.memory_space<vmem>>
    %dma_wait3A_598 = arith.constant 0 : i32
    %dma_wait3A_599 = tpu.memref_slice %arg3[%dma_wait3A_589, %dma_wait3A_598] : memref<1x1000000xf32, #tpu.memory_space<hbm>> -> memref<1x1000000xf32, #tpu.memory_space<hbm>>
    %dma_wait3A_600 = tpu.memref_squeeze %dma_wait3A_599 : memref<1x1000000xf32, #tpu.memory_space<hbm>> -> memref<1000000xf32, #tpu.memory_space<hbm>>
    %dma_wait3A_601 = arith.constant 0 : i32
    %dma_wait3A_602 = tpu.memref_slice %dma_wait3A_600[%dma_wait3A_601] : memref<1000000xf32, #tpu.memory_space<hbm>> -> memref<1000000xf32, #tpu.memory_space<hbm>>
    tpu.wait_indirect_dma semaphore(%arg8 : memref<!tpu.dma_semaphore, #tpu.memory_space<semaphore_mem>>) src(%dma_wait3A_602 : memref<1000000xf32, #tpu.memory_space<hbm>>) dst(%dma_wait3A_594 : memref<128xf32, #tpu.memory_space<vmem>>)
    %dma_wait3A_603 = arith.constant 0 : i32
    %dma_wait3A_604 = arith.constant 17 : i32
    %dma_wait3A_605 = arith.constant 17 : i32
    %dma_wait3A_606 = arith.constant 0 : i32
    %dma_wait3A_607 = tpu.memref_slice %arg6[%dma_wait3A_605, %dma_wait3A_606] : memref<26x128xf32, #tpu.memory_space<vmem>> -> memref<1x128xf32, #tpu.memory_space<vmem>>
    %dma_wait3A_608 = tpu.memref_squeeze %dma_wait3A_607 : memref<1x128xf32, #tpu.memory_space<vmem>> -> memref<128xf32, #tpu.memory_space<vmem>>
    %dma_wait3A_609 = arith.constant 0 : i32
    %dma_wait3A_610 = tpu.memref_slice %arg5[%dma_wait3A_604, %dma_wait3A_609] : memref<26x128xi32, #tpu.memory_space<vmem>> -> memref<1x128xi32, #tpu.memory_space<vmem>>
    %dma_wait3A_611 = tpu.memref_squeeze %dma_wait3A_610 : memref<1x128xi32, #tpu.memory_space<vmem>> -> memref<128xi32, #tpu.memory_space<vmem>>
    %dma_wait3A_612 = arith.constant 0 : i32
    %dma_wait3A_613 = tpu.memref_slice %arg3[%dma_wait3A_603, %dma_wait3A_612] : memref<1x1000000xf32, #tpu.memory_space<hbm>> -> memref<1x1000000xf32, #tpu.memory_space<hbm>>
    %dma_wait3A_614 = tpu.memref_squeeze %dma_wait3A_613 : memref<1x1000000xf32, #tpu.memory_space<hbm>> -> memref<1000000xf32, #tpu.memory_space<hbm>>
    %dma_wait3A_615 = arith.constant 0 : i32
    %dma_wait3A_616 = tpu.memref_slice %dma_wait3A_614[%dma_wait3A_615] : memref<1000000xf32, #tpu.memory_space<hbm>> -> memref<1000000xf32, #tpu.memory_space<hbm>>
    tpu.wait_indirect_dma semaphore(%arg8 : memref<!tpu.dma_semaphore, #tpu.memory_space<semaphore_mem>>) src(%dma_wait3A_616 : memref<1000000xf32, #tpu.memory_space<hbm>>) dst(%dma_wait3A_608 : memref<128xf32, #tpu.memory_space<vmem>>)
    %dma_wait3A_617 = arith.constant 0 : i32
    %dma_wait3A_618 = arith.constant 18 : i32
    %dma_wait3A_619 = arith.constant 18 : i32
    %dma_wait3A_620 = arith.constant 0 : i32
    %dma_wait3A_621 = tpu.memref_slice %arg6[%dma_wait3A_619, %dma_wait3A_620] : memref<26x128xf32, #tpu.memory_space<vmem>> -> memref<1x128xf32, #tpu.memory_space<vmem>>
    %dma_wait3A_622 = tpu.memref_squeeze %dma_wait3A_621 : memref<1x128xf32, #tpu.memory_space<vmem>> -> memref<128xf32, #tpu.memory_space<vmem>>
    %dma_wait3A_623 = arith.constant 0 : i32
    %dma_wait3A_624 = tpu.memref_slice %arg5[%dma_wait3A_618, %dma_wait3A_623] : memref<26x128xi32, #tpu.memory_space<vmem>> -> memref<1x128xi32, #tpu.memory_space<vmem>>
    %dma_wait3A_625 = tpu.memref_squeeze %dma_wait3A_624 : memref<1x128xi32, #tpu.memory_space<vmem>> -> memref<128xi32, #tpu.memory_space<vmem>>
    %dma_wait3A_626 = arith.constant 0 : i32
    %dma_wait3A_627 = tpu.memref_slice %arg3[%dma_wait3A_617, %dma_wait3A_626] : memref<1x1000000xf32, #tpu.memory_space<hbm>> -> memref<1x1000000xf32, #tpu.memory_space<hbm>>
    %dma_wait3A_628 = tpu.memref_squeeze %dma_wait3A_627 : memref<1x1000000xf32, #tpu.memory_space<hbm>> -> memref<1000000xf32, #tpu.memory_space<hbm>>
    %dma_wait3A_629 = arith.constant 0 : i32
    %dma_wait3A_630 = tpu.memref_slice %dma_wait3A_628[%dma_wait3A_629] : memref<1000000xf32, #tpu.memory_space<hbm>> -> memref<1000000xf32, #tpu.memory_space<hbm>>
    tpu.wait_indirect_dma semaphore(%arg8 : memref<!tpu.dma_semaphore, #tpu.memory_space<semaphore_mem>>) src(%dma_wait3A_630 : memref<1000000xf32, #tpu.memory_space<hbm>>) dst(%dma_wait3A_622 : memref<128xf32, #tpu.memory_space<vmem>>)
    %dma_wait3A_631 = arith.constant 0 : i32
    %dma_wait3A_632 = arith.constant 19 : i32
    %dma_wait3A_633 = arith.constant 19 : i32
    %dma_wait3A_634 = arith.constant 0 : i32
    %dma_wait3A_635 = tpu.memref_slice %arg6[%dma_wait3A_633, %dma_wait3A_634] : memref<26x128xf32, #tpu.memory_space<vmem>> -> memref<1x128xf32, #tpu.memory_space<vmem>>
    %dma_wait3A_636 = tpu.memref_squeeze %dma_wait3A_635 : memref<1x128xf32, #tpu.memory_space<vmem>> -> memref<128xf32, #tpu.memory_space<vmem>>
    %dma_wait3A_637 = arith.constant 0 : i32
    %dma_wait3A_638 = tpu.memref_slice %arg5[%dma_wait3A_632, %dma_wait3A_637] : memref<26x128xi32, #tpu.memory_space<vmem>> -> memref<1x128xi32, #tpu.memory_space<vmem>>
    %dma_wait3A_639 = tpu.memref_squeeze %dma_wait3A_638 : memref<1x128xi32, #tpu.memory_space<vmem>> -> memref<128xi32, #tpu.memory_space<vmem>>
    %dma_wait3A_640 = arith.constant 0 : i32
    %dma_wait3A_641 = tpu.memref_slice %arg3[%dma_wait3A_631, %dma_wait3A_640] : memref<1x1000000xf32, #tpu.memory_space<hbm>> -> memref<1x1000000xf32, #tpu.memory_space<hbm>>
    %dma_wait3A_642 = tpu.memref_squeeze %dma_wait3A_641 : memref<1x1000000xf32, #tpu.memory_space<hbm>> -> memref<1000000xf32, #tpu.memory_space<hbm>>
    %dma_wait3A_643 = arith.constant 0 : i32
    %dma_wait3A_644 = tpu.memref_slice %dma_wait3A_642[%dma_wait3A_643] : memref<1000000xf32, #tpu.memory_space<hbm>> -> memref<1000000xf32, #tpu.memory_space<hbm>>
    tpu.wait_indirect_dma semaphore(%arg8 : memref<!tpu.dma_semaphore, #tpu.memory_space<semaphore_mem>>) src(%dma_wait3A_644 : memref<1000000xf32, #tpu.memory_space<hbm>>) dst(%dma_wait3A_636 : memref<128xf32, #tpu.memory_space<vmem>>)
    %dma_wait3A_645 = arith.constant 0 : i32
    %dma_wait3A_646 = arith.constant 20 : i32
    %dma_wait3A_647 = arith.constant 20 : i32
    %dma_wait3A_648 = arith.constant 0 : i32
    %dma_wait3A_649 = tpu.memref_slice %arg6[%dma_wait3A_647, %dma_wait3A_648] : memref<26x128xf32, #tpu.memory_space<vmem>> -> memref<1x128xf32, #tpu.memory_space<vmem>>
    %dma_wait3A_650 = tpu.memref_squeeze %dma_wait3A_649 : memref<1x128xf32, #tpu.memory_space<vmem>> -> memref<128xf32, #tpu.memory_space<vmem>>
    %dma_wait3A_651 = arith.constant 0 : i32
    %dma_wait3A_652 = tpu.memref_slice %arg5[%dma_wait3A_646, %dma_wait3A_651] : memref<26x128xi32, #tpu.memory_space<vmem>> -> memref<1x128xi32, #tpu.memory_space<vmem>>
    %dma_wait3A_653 = tpu.memref_squeeze %dma_wait3A_652 : memref<1x128xi32, #tpu.memory_space<vmem>> -> memref<128xi32, #tpu.memory_space<vmem>>
    %dma_wait3A_654 = arith.constant 0 : i32
    %dma_wait3A_655 = tpu.memref_slice %arg3[%dma_wait3A_645, %dma_wait3A_654] : memref<1x1000000xf32, #tpu.memory_space<hbm>> -> memref<1x1000000xf32, #tpu.memory_space<hbm>>
    %dma_wait3A_656 = tpu.memref_squeeze %dma_wait3A_655 : memref<1x1000000xf32, #tpu.memory_space<hbm>> -> memref<1000000xf32, #tpu.memory_space<hbm>>
    %dma_wait3A_657 = arith.constant 0 : i32
    %dma_wait3A_658 = tpu.memref_slice %dma_wait3A_656[%dma_wait3A_657] : memref<1000000xf32, #tpu.memory_space<hbm>> -> memref<1000000xf32, #tpu.memory_space<hbm>>
    tpu.wait_indirect_dma semaphore(%arg8 : memref<!tpu.dma_semaphore, #tpu.memory_space<semaphore_mem>>) src(%dma_wait3A_658 : memref<1000000xf32, #tpu.memory_space<hbm>>) dst(%dma_wait3A_650 : memref<128xf32, #tpu.memory_space<vmem>>)
    %dma_wait3A_659 = arith.constant 0 : i32
    %dma_wait3A_660 = arith.constant 21 : i32
    %dma_wait3A_661 = arith.constant 21 : i32
    %dma_wait3A_662 = arith.constant 0 : i32
    %dma_wait3A_663 = tpu.memref_slice %arg6[%dma_wait3A_661, %dma_wait3A_662] : memref<26x128xf32, #tpu.memory_space<vmem>> -> memref<1x128xf32, #tpu.memory_space<vmem>>
    %dma_wait3A_664 = tpu.memref_squeeze %dma_wait3A_663 : memref<1x128xf32, #tpu.memory_space<vmem>> -> memref<128xf32, #tpu.memory_space<vmem>>
    %dma_wait3A_665 = arith.constant 0 : i32
    %dma_wait3A_666 = tpu.memref_slice %arg5[%dma_wait3A_660, %dma_wait3A_665] : memref<26x128xi32, #tpu.memory_space<vmem>> -> memref<1x128xi32, #tpu.memory_space<vmem>>
    %dma_wait3A_667 = tpu.memref_squeeze %dma_wait3A_666 : memref<1x128xi32, #tpu.memory_space<vmem>> -> memref<128xi32, #tpu.memory_space<vmem>>
    %dma_wait3A_668 = arith.constant 0 : i32
    %dma_wait3A_669 = tpu.memref_slice %arg3[%dma_wait3A_659, %dma_wait3A_668] : memref<1x1000000xf32, #tpu.memory_space<hbm>> -> memref<1x1000000xf32, #tpu.memory_space<hbm>>
    %dma_wait3A_670 = tpu.memref_squeeze %dma_wait3A_669 : memref<1x1000000xf32, #tpu.memory_space<hbm>> -> memref<1000000xf32, #tpu.memory_space<hbm>>
    %dma_wait3A_671 = arith.constant 0 : i32
    %dma_wait3A_672 = tpu.memref_slice %dma_wait3A_670[%dma_wait3A_671] : memref<1000000xf32, #tpu.memory_space<hbm>> -> memref<1000000xf32, #tpu.memory_space<hbm>>
    tpu.wait_indirect_dma semaphore(%arg8 : memref<!tpu.dma_semaphore, #tpu.memory_space<semaphore_mem>>) src(%dma_wait3A_672 : memref<1000000xf32, #tpu.memory_space<hbm>>) dst(%dma_wait3A_664 : memref<128xf32, #tpu.memory_space<vmem>>)
    %dma_wait3A_673 = arith.constant 0 : i32
    %dma_wait3A_674 = arith.constant 22 : i32
    %dma_wait3A_675 = arith.constant 22 : i32
    %dma_wait3A_676 = arith.constant 0 : i32
    %dma_wait3A_677 = tpu.memref_slice %arg6[%dma_wait3A_675, %dma_wait3A_676] : memref<26x128xf32, #tpu.memory_space<vmem>> -> memref<1x128xf32, #tpu.memory_space<vmem>>
    %dma_wait3A_678 = tpu.memref_squeeze %dma_wait3A_677 : memref<1x128xf32, #tpu.memory_space<vmem>> -> memref<128xf32, #tpu.memory_space<vmem>>
    %dma_wait3A_679 = arith.constant 0 : i32
    %dma_wait3A_680 = tpu.memref_slice %arg5[%dma_wait3A_674, %dma_wait3A_679] : memref<26x128xi32, #tpu.memory_space<vmem>> -> memref<1x128xi32, #tpu.memory_space<vmem>>
    %dma_wait3A_681 = tpu.memref_squeeze %dma_wait3A_680 : memref<1x128xi32, #tpu.memory_space<vmem>> -> memref<128xi32, #tpu.memory_space<vmem>>
    %dma_wait3A_682 = arith.constant 0 : i32
    %dma_wait3A_683 = tpu.memref_slice %arg3[%dma_wait3A_673, %dma_wait3A_682] : memref<1x1000000xf32, #tpu.memory_space<hbm>> -> memref<1x1000000xf32, #tpu.memory_space<hbm>>
    %dma_wait3A_684 = tpu.memref_squeeze %dma_wait3A_683 : memref<1x1000000xf32, #tpu.memory_space<hbm>> -> memref<1000000xf32, #tpu.memory_space<hbm>>
    %dma_wait3A_685 = arith.constant 0 : i32
    %dma_wait3A_686 = tpu.memref_slice %dma_wait3A_684[%dma_wait3A_685] : memref<1000000xf32, #tpu.memory_space<hbm>> -> memref<1000000xf32, #tpu.memory_space<hbm>>
    tpu.wait_indirect_dma semaphore(%arg8 : memref<!tpu.dma_semaphore, #tpu.memory_space<semaphore_mem>>) src(%dma_wait3A_686 : memref<1000000xf32, #tpu.memory_space<hbm>>) dst(%dma_wait3A_678 : memref<128xf32, #tpu.memory_space<vmem>>)
    %dma_wait3A_687 = arith.constant 0 : i32
    %dma_wait3A_688 = arith.constant 23 : i32
    %dma_wait3A_689 = arith.constant 23 : i32
    %dma_wait3A_690 = arith.constant 0 : i32
    %dma_wait3A_691 = tpu.memref_slice %arg6[%dma_wait3A_689, %dma_wait3A_690] : memref<26x128xf32, #tpu.memory_space<vmem>> -> memref<1x128xf32, #tpu.memory_space<vmem>>
    %dma_wait3A_692 = tpu.memref_squeeze %dma_wait3A_691 : memref<1x128xf32, #tpu.memory_space<vmem>> -> memref<128xf32, #tpu.memory_space<vmem>>
    %dma_wait3A_693 = arith.constant 0 : i32
    %dma_wait3A_694 = tpu.memref_slice %arg5[%dma_wait3A_688, %dma_wait3A_693] : memref<26x128xi32, #tpu.memory_space<vmem>> -> memref<1x128xi32, #tpu.memory_space<vmem>>
    %dma_wait3A_695 = tpu.memref_squeeze %dma_wait3A_694 : memref<1x128xi32, #tpu.memory_space<vmem>> -> memref<128xi32, #tpu.memory_space<vmem>>
    %dma_wait3A_696 = arith.constant 0 : i32
    %dma_wait3A_697 = tpu.memref_slice %arg3[%dma_wait3A_687, %dma_wait3A_696] : memref<1x1000000xf32, #tpu.memory_space<hbm>> -> memref<1x1000000xf32, #tpu.memory_space<hbm>>
    %dma_wait3A_698 = tpu.memref_squeeze %dma_wait3A_697 : memref<1x1000000xf32, #tpu.memory_space<hbm>> -> memref<1000000xf32, #tpu.memory_space<hbm>>
    %dma_wait3A_699 = arith.constant 0 : i32
    %dma_wait3A_700 = tpu.memref_slice %dma_wait3A_698[%dma_wait3A_699] : memref<1000000xf32, #tpu.memory_space<hbm>> -> memref<1000000xf32, #tpu.memory_space<hbm>>
    tpu.wait_indirect_dma semaphore(%arg8 : memref<!tpu.dma_semaphore, #tpu.memory_space<semaphore_mem>>) src(%dma_wait3A_700 : memref<1000000xf32, #tpu.memory_space<hbm>>) dst(%dma_wait3A_692 : memref<128xf32, #tpu.memory_space<vmem>>)
    %dma_wait3A_701 = arith.constant 0 : i32
    %dma_wait3A_702 = arith.constant 24 : i32
    %dma_wait3A_703 = arith.constant 24 : i32
    %dma_wait3A_704 = arith.constant 0 : i32
    %dma_wait3A_705 = tpu.memref_slice %arg6[%dma_wait3A_703, %dma_wait3A_704] : memref<26x128xf32, #tpu.memory_space<vmem>> -> memref<1x128xf32, #tpu.memory_space<vmem>>
    %dma_wait3A_706 = tpu.memref_squeeze %dma_wait3A_705 : memref<1x128xf32, #tpu.memory_space<vmem>> -> memref<128xf32, #tpu.memory_space<vmem>>
    %dma_wait3A_707 = arith.constant 0 : i32
    %dma_wait3A_708 = tpu.memref_slice %arg5[%dma_wait3A_702, %dma_wait3A_707] : memref<26x128xi32, #tpu.memory_space<vmem>> -> memref<1x128xi32, #tpu.memory_space<vmem>>
    %dma_wait3A_709 = tpu.memref_squeeze %dma_wait3A_708 : memref<1x128xi32, #tpu.memory_space<vmem>> -> memref<128xi32, #tpu.memory_space<vmem>>
    %dma_wait3A_710 = arith.constant 0 : i32
    %dma_wait3A_711 = tpu.memref_slice %arg3[%dma_wait3A_701, %dma_wait3A_710] : memref<1x1000000xf32, #tpu.memory_space<hbm>> -> memref<1x1000000xf32, #tpu.memory_space<hbm>>
    %dma_wait3A_712 = tpu.memref_squeeze %dma_wait3A_711 : memref<1x1000000xf32, #tpu.memory_space<hbm>> -> memref<1000000xf32, #tpu.memory_space<hbm>>
    %dma_wait3A_713 = arith.constant 0 : i32
    %dma_wait3A_714 = tpu.memref_slice %dma_wait3A_712[%dma_wait3A_713] : memref<1000000xf32, #tpu.memory_space<hbm>> -> memref<1000000xf32, #tpu.memory_space<hbm>>
    tpu.wait_indirect_dma semaphore(%arg8 : memref<!tpu.dma_semaphore, #tpu.memory_space<semaphore_mem>>) src(%dma_wait3A_714 : memref<1000000xf32, #tpu.memory_space<hbm>>) dst(%dma_wait3A_706 : memref<128xf32, #tpu.memory_space<vmem>>)
    %dma_wait3A_715 = arith.constant 0 : i32
    %dma_wait3A_716 = arith.constant 25 : i32
    %dma_wait3A_717 = arith.constant 25 : i32
    %dma_wait3A_718 = arith.constant 0 : i32
    %dma_wait3A_719 = tpu.memref_slice %arg6[%dma_wait3A_717, %dma_wait3A_718] : memref<26x128xf32, #tpu.memory_space<vmem>> -> memref<1x128xf32, #tpu.memory_space<vmem>>
    %dma_wait3A_720 = tpu.memref_squeeze %dma_wait3A_719 : memref<1x128xf32, #tpu.memory_space<vmem>> -> memref<128xf32, #tpu.memory_space<vmem>>
    %dma_wait3A_721 = arith.constant 0 : i32
    %dma_wait3A_722 = tpu.memref_slice %arg5[%dma_wait3A_716, %dma_wait3A_721] : memref<26x128xi32, #tpu.memory_space<vmem>> -> memref<1x128xi32, #tpu.memory_space<vmem>>
    %dma_wait3A_723 = tpu.memref_squeeze %dma_wait3A_722 : memref<1x128xi32, #tpu.memory_space<vmem>> -> memref<128xi32, #tpu.memory_space<vmem>>
    %dma_wait3A_724 = arith.constant 0 : i32
    %dma_wait3A_725 = tpu.memref_slice %arg3[%dma_wait3A_715, %dma_wait3A_724] : memref<1x1000000xf32, #tpu.memory_space<hbm>> -> memref<1x1000000xf32, #tpu.memory_space<hbm>>
    %dma_wait3A_726 = tpu.memref_squeeze %dma_wait3A_725 : memref<1x1000000xf32, #tpu.memory_space<hbm>> -> memref<1000000xf32, #tpu.memory_space<hbm>>
    %dma_wait3A_727 = arith.constant 0 : i32
    %dma_wait3A_728 = tpu.memref_slice %dma_wait3A_726[%dma_wait3A_727] : memref<1000000xf32, #tpu.memory_space<hbm>> -> memref<1000000xf32, #tpu.memory_space<hbm>>
    tpu.wait_indirect_dma semaphore(%arg8 : memref<!tpu.dma_semaphore, #tpu.memory_space<semaphore_mem>>) src(%dma_wait3A_728 : memref<1000000xf32, #tpu.memory_space<hbm>>) dst(%dma_wait3A_720 : memref<128xf32, #tpu.memory_space<vmem>>)
    %scan3A = arith.constant 0 : i32
    %scan3A_729 = arith.constant 0 : i32
    %scan3A_730 = arith.constant 8 : i32
    %scan3A_731 = arith.addi %scan3A_729, %scan3A_730 : i32
    %scan3A_732 = arith.constant 1 : i32
    %scan3A_733 = scf.for %scan3A_735 = %scan3A_729 to %scan3A_731 step %scan3A_732 iter_args(%scan3A_736 = %scan3A) -> (i32)  : i32 {
      %mul3A_737 = arith.constant 16 : i32
      %mul3A_738 = arith.muli %scan3A_735, %mul3A_737 : i32
      %get3A = arith.constant 0 : i32
      %get3A_739 = arith.index_cast %get3A : i32 to index
      %get3A_740 = arith.index_cast %mul3A_738 : i32 to index
      %get3A_741 = tpu.vector_load %arg6[%get3A_739, %get3A_740] {strides = array<i32>} : memref<26x128xf32, #tpu.memory_space<vmem>>, vector<16xf32>,
      %get3A_742 = arith.constant 1 : i32
      %get3A_743 = arith.index_cast %get3A_742 : i32 to index
      %get3A_744 = arith.index_cast %mul3A_738 : i32 to index
      %get3A_745 = tpu.vector_load %arg6[%get3A_743, %get3A_744] {strides = array<i32>} : memref<26x128xf32, #tpu.memory_space<vmem>>, vector<16xf32>,
      %add3A_746 = arith.addf %get3A_741, %get3A_745 : vector<16xf32>
      %get3A_747 = arith.constant 2 : i32
      %get3A_748 = arith.index_cast %get3A_747 : i32 to index
      %get3A_749 = arith.index_cast %mul3A_738 : i32 to index
      %get3A_750 = tpu.vector_load %arg6[%get3A_748, %get3A_749] {strides = array<i32>} : memref<26x128xf32, #tpu.memory_space<vmem>>, vector<16xf32>,
      %add3A_751 = arith.addf %add3A_746, %get3A_750 : vector<16xf32>
      %get3A_752 = arith.constant 3 : i32
      %get3A_753 = arith.index_cast %get3A_752 : i32 to index
      %get3A_754 = arith.index_cast %mul3A_738 : i32 to index
      %get3A_755 = tpu.vector_load %arg6[%get3A_753, %get3A_754] {strides = array<i32>} : memref<26x128xf32, #tpu.memory_space<vmem>>, vector<16xf32>,
      %add3A_756 = arith.addf %add3A_751, %get3A_755 : vector<16xf32>
      %get3A_757 = arith.constant 4 : i32
      %get3A_758 = arith.index_cast %get3A_757 : i32 to index
      %get3A_759 = arith.index_cast %mul3A_738 : i32 to index
      %get3A_760 = tpu.vector_load %arg6[%get3A_758, %get3A_759] {strides = array<i32>} : memref<26x128xf32, #tpu.memory_space<vmem>>, vector<16xf32>,
      %add3A_761 = arith.addf %add3A_756, %get3A_760 : vector<16xf32>
      %get3A_762 = arith.constant 5 : i32
      %get3A_763 = arith.index_cast %get3A_762 : i32 to index
      %get3A_764 = arith.index_cast %mul3A_738 : i32 to index
      %get3A_765 = tpu.vector_load %arg6[%get3A_763, %get3A_764] {strides = array<i32>} : memref<26x128xf32, #tpu.memory_space<vmem>>, vector<16xf32>,
      %add3A_766 = arith.addf %add3A_761, %get3A_765 : vector<16xf32>
      %get3A_767 = arith.constant 6 : i32
      %get3A_768 = arith.index_cast %get3A_767 : i32 to index
      %get3A_769 = arith.index_cast %mul3A_738 : i32 to index
      %get3A_770 = tpu.vector_load %arg6[%get3A_768, %get3A_769] {strides = array<i32>} : memref<26x128xf32, #tpu.memory_space<vmem>>, vector<16xf32>,
      %add3A_771 = arith.addf %add3A_766, %get3A_770 : vector<16xf32>
      %get3A_772 = arith.constant 7 : i32
      %get3A_773 = arith.index_cast %get3A_772 : i32 to index
      %get3A_774 = arith.index_cast %mul3A_738 : i32 to index
      %get3A_775 = tpu.vector_load %arg6[%get3A_773, %get3A_774] {strides = array<i32>} : memref<26x128xf32, #tpu.memory_space<vmem>>, vector<16xf32>,
      %add3A_776 = arith.addf %add3A_771, %get3A_775 : vector<16xf32>
      %get3A_777 = arith.constant 8 : i32
      %get3A_778 = arith.index_cast %get3A_777 : i32 to index
      %get3A_779 = arith.index_cast %mul3A_738 : i32 to index
      %get3A_780 = tpu.vector_load %arg6[%get3A_778, %get3A_779] {strides = array<i32>} : memref<26x128xf32, #tpu.memory_space<vmem>>, vector<16xf32>,
      %add3A_781 = arith.addf %add3A_776, %get3A_780 : vector<16xf32>
      %get3A_782 = arith.constant 9 : i32
      %get3A_783 = arith.index_cast %get3A_782 : i32 to index
      %get3A_784 = arith.index_cast %mul3A_738 : i32 to index
      %get3A_785 = tpu.vector_load %arg6[%get3A_783, %get3A_784] {strides = array<i32>} : memref<26x128xf32, #tpu.memory_space<vmem>>, vector<16xf32>,
      %add3A_786 = arith.addf %add3A_781, %get3A_785 : vector<16xf32>
      %get3A_787 = arith.constant 10 : i32
      %get3A_788 = arith.index_cast %get3A_787 : i32 to index
      %get3A_789 = arith.index_cast %mul3A_738 : i32 to index
      %get3A_790 = tpu.vector_load %arg6[%get3A_788, %get3A_789] {strides = array<i32>} : memref<26x128xf32, #tpu.memory_space<vmem>>, vector<16xf32>,
      %add3A_791 = arith.addf %add3A_786, %get3A_790 : vector<16xf32>
      %get3A_792 = arith.constant 11 : i32
      %get3A_793 = arith.index_cast %get3A_792 : i32 to index
      %get3A_794 = arith.index_cast %mul3A_738 : i32 to index
      %get3A_795 = tpu.vector_load %arg6[%get3A_793, %get3A_794] {strides = array<i32>} : memref<26x128xf32, #tpu.memory_space<vmem>>, vector<16xf32>,
      %add3A_796 = arith.addf %add3A_791, %get3A_795 : vector<16xf32>
      %get3A_797 = arith.constant 12 : i32
      %get3A_798 = arith.index_cast %get3A_797 : i32 to index
      %get3A_799 = arith.index_cast %mul3A_738 : i32 to index
      %get3A_800 = tpu.vector_load %arg6[%get3A_798, %get3A_799] {strides = array<i32>} : memref<26x128xf32, #tpu.memory_space<vmem>>, vector<16xf32>,
      %add3A_801 = arith.addf %add3A_796, %get3A_800 : vector<16xf32>
      %get3A_802 = arith.constant 13 : i32
      %get3A_803 = arith.index_cast %get3A_802 : i32 to index
      %get3A_804 = arith.index_cast %mul3A_738 : i32 to index
      %get3A_805 = tpu.vector_load %arg6[%get3A_803, %get3A_804] {strides = array<i32>} : memref<26x128xf32, #tpu.memory_space<vmem>>, vector<16xf32>,
      %add3A_806 = arith.addf %add3A_801, %get3A_805 : vector<16xf32>
      %get3A_807 = arith.constant 14 : i32
      %get3A_808 = arith.index_cast %get3A_807 : i32 to index
      %get3A_809 = arith.index_cast %mul3A_738 : i32 to index
      %get3A_810 = tpu.vector_load %arg6[%get3A_808, %get3A_809] {strides = array<i32>} : memref<26x128xf32, #tpu.memory_space<vmem>>, vector<16xf32>,
      %add3A_811 = arith.addf %add3A_806, %get3A_810 : vector<16xf32>
      %get3A_812 = arith.constant 15 : i32
      %get3A_813 = arith.index_cast %get3A_812 : i32 to index
      %get3A_814 = arith.index_cast %mul3A_738 : i32 to index
      %get3A_815 = tpu.vector_load %arg6[%get3A_813, %get3A_814] {strides = array<i32>} : memref<26x128xf32, #tpu.memory_space<vmem>>, vector<16xf32>,
      %add3A_816 = arith.addf %add3A_811, %get3A_815 : vector<16xf32>
      %get3A_817 = arith.constant 16 : i32
      %get3A_818 = arith.index_cast %get3A_817 : i32 to index
      %get3A_819 = arith.index_cast %mul3A_738 : i32 to index
      %get3A_820 = tpu.vector_load %arg6[%get3A_818, %get3A_819] {strides = array<i32>} : memref<26x128xf32, #tpu.memory_space<vmem>>, vector<16xf32>,
      %add3A_821 = arith.addf %add3A_816, %get3A_820 : vector<16xf32>
      %get3A_822 = arith.constant 17 : i32
      %get3A_823 = arith.index_cast %get3A_822 : i32 to index
      %get3A_824 = arith.index_cast %mul3A_738 : i32 to index
      %get3A_825 = tpu.vector_load %arg6[%get3A_823, %get3A_824] {strides = array<i32>} : memref<26x128xf32, #tpu.memory_space<vmem>>, vector<16xf32>,
      %add3A_826 = arith.addf %add3A_821, %get3A_825 : vector<16xf32>
      %get3A_827 = arith.constant 18 : i32
      %get3A_828 = arith.index_cast %get3A_827 : i32 to index
      %get3A_829 = arith.index_cast %mul3A_738 : i32 to index
      %get3A_830 = tpu.vector_load %arg6[%get3A_828, %get3A_829] {strides = array<i32>} : memref<26x128xf32, #tpu.memory_space<vmem>>, vector<16xf32>,
      %add3A_831 = arith.addf %add3A_826, %get3A_830 : vector<16xf32>
      %get3A_832 = arith.constant 19 : i32
      %get3A_833 = arith.index_cast %get3A_832 : i32 to index
      %get3A_834 = arith.index_cast %mul3A_738 : i32 to index
      %get3A_835 = tpu.vector_load %arg6[%get3A_833, %get3A_834] {strides = array<i32>} : memref<26x128xf32, #tpu.memory_space<vmem>>, vector<16xf32>,
      %add3A_836 = arith.addf %add3A_831, %get3A_835 : vector<16xf32>
      %get3A_837 = arith.constant 20 : i32
      %get3A_838 = arith.index_cast %get3A_837 : i32 to index
      %get3A_839 = arith.index_cast %mul3A_738 : i32 to index
      %get3A_840 = tpu.vector_load %arg6[%get3A_838, %get3A_839] {strides = array<i32>} : memref<26x128xf32, #tpu.memory_space<vmem>>, vector<16xf32>,
      %add3A_841 = arith.addf %add3A_836, %get3A_840 : vector<16xf32>
      %get3A_842 = arith.constant 21 : i32
      %get3A_843 = arith.index_cast %get3A_842 : i32 to index
      %get3A_844 = arith.index_cast %mul3A_738 : i32 to index
      %get3A_845 = tpu.vector_load %arg6[%get3A_843, %get3A_844] {strides = array<i32>} : memref<26x128xf32, #tpu.memory_space<vmem>>, vector<16xf32>,
      %add3A_846 = arith.addf %add3A_841, %get3A_845 : vector<16xf32>
      %get3A_847 = arith.constant 22 : i32
      %get3A_848 = arith.index_cast %get3A_847 : i32 to index
      %get3A_849 = arith.index_cast %mul3A_738 : i32 to index
      %get3A_850 = tpu.vector_load %arg6[%get3A_848, %get3A_849] {strides = array<i32>} : memref<26x128xf32, #tpu.memory_space<vmem>>, vector<16xf32>,
      %add3A_851 = arith.addf %add3A_846, %get3A_850 : vector<16xf32>
      %get3A_852 = arith.constant 23 : i32
      %get3A_853 = arith.index_cast %get3A_852 : i32 to index
      %get3A_854 = arith.index_cast %mul3A_738 : i32 to index
      %get3A_855 = tpu.vector_load %arg6[%get3A_853, %get3A_854] {strides = array<i32>} : memref<26x128xf32, #tpu.memory_space<vmem>>, vector<16xf32>,
      %add3A_856 = arith.addf %add3A_851, %get3A_855 : vector<16xf32>
      %get3A_857 = arith.constant 24 : i32
      %get3A_858 = arith.index_cast %get3A_857 : i32 to index
      %get3A_859 = arith.index_cast %mul3A_738 : i32 to index
      %get3A_860 = tpu.vector_load %arg6[%get3A_858, %get3A_859] {strides = array<i32>} : memref<26x128xf32, #tpu.memory_space<vmem>>, vector<16xf32>,
      %add3A_861 = arith.addf %add3A_856, %get3A_860 : vector<16xf32>
      %get3A_862 = arith.constant 25 : i32
      %get3A_863 = arith.index_cast %get3A_862 : i32 to index
      %get3A_864 = arith.index_cast %mul3A_738 : i32 to index
      %get3A_865 = tpu.vector_load %arg6[%get3A_863, %get3A_864] {strides = array<i32>} : memref<26x128xf32, #tpu.memory_space<vmem>>, vector<16xf32>,
      %add3A_866 = arith.addf %add3A_861, %get3A_865 : vector<16xf32>
      %swap3A = arith.constant 0 : i32
      %swap3A_867 = arith.index_cast %swap3A : i32 to index
      %swap3A_868 = arith.index_cast %mul3A_738 : i32 to index
      %swap3A_869 = tpu.vector_load %arg7[%swap3A_867, %swap3A_868] {strides = array<i32>} : memref<1x128xf32, #tpu.memory_space<vmem>>, vector<16xf32>,
      tpu.vector_store %arg7[%swap3A_867, %swap3A_868], %add3A_866 {strides = array<i32>} : memref<1x128xf32, #tpu.memory_space<vmem>>, vector<16xf32>,
      %scan3A_870 = arith.constant 0 : i32
      scf.yield %scan3A_870 : i32
    }
    %scan3A_734 = arith.constant 8 : i32
    "tpu.region"() ({
      %run_scoped3A = tpu.sem_alloc : memref<!tpu.dma_semaphore, #tpu.memory_space<semaphore_mem>>
      %dma_start3A_735 = arith.constant 0 : i32
      %dma_start3A_736 = arith.constant 0 : i32
      %dma_start3A_737 = tpu.memref_slice %arg4[%add3A, %dma_start3A_735, %dma_start3A_736] : memref<32x1x128xf32, #tpu.memory_space<hbm>> -> memref<1x1x128xf32, #tpu.memory_space<hbm>>
      %dma_start3A_738 = tpu.memref_squeeze %dma_start3A_737 : memref<1x1x128xf32, #tpu.memory_space<hbm>> -> memref<1x128xf32, #tpu.memory_space<hbm>>
      %dma_start3A_739 = arith.constant 0 : i32
      %dma_start3A_740 = arith.constant 0 : i32
      %dma_start3A_741 = tpu.memref_slice %arg4[%add3A, %dma_start3A_739, %dma_start3A_740] : memref<32x1x128xf32, #tpu.memory_space<hbm>> -> memref<1x1x128xf32, #tpu.memory_space<hbm>>
      %dma_start3A_742 = tpu.memref_squeeze %dma_start3A_741 : memref<1x1x128xf32, #tpu.memory_space<hbm>> -> memref<1x128xf32, #tpu.memory_space<hbm>>
      tpu.enqueue_dma source(%arg7 : memref<1x128xf32, #tpu.memory_space<vmem>>) target(%dma_start3A_742 : memref<1x128xf32, #tpu.memory_space<hbm>>) target_semaphore(%run_scoped3A : memref<!tpu.dma_semaphore, #tpu.memory_space<semaphore_mem>>)
      %dma_wait3A_743 = arith.constant 0 : i32
      %dma_wait3A_744 = arith.constant 0 : i32
      %dma_wait3A_745 = tpu.memref_slice %arg4[%add3A, %dma_wait3A_743, %dma_wait3A_744] : memref<32x1x128xf32, #tpu.memory_space<hbm>> -> memref<1x1x128xf32, #tpu.memory_space<hbm>>
      %dma_wait3A_746 = tpu.memref_squeeze %dma_wait3A_745 : memref<1x1x128xf32, #tpu.memory_space<hbm>> -> memref<1x128xf32, #tpu.memory_space<hbm>>
      %dma_wait3A_747 = arith.constant 0 : i32
      %dma_wait3A_748 = arith.constant 0 : i32
      %dma_wait3A_749 = tpu.memref_slice %arg4[%add3A, %dma_wait3A_747, %dma_wait3A_748] : memref<32x1x128xf32, #tpu.memory_space<hbm>> -> memref<1x1x128xf32, #tpu.memory_space<hbm>>
      %dma_wait3A_750 = tpu.memref_squeeze %dma_wait3A_749 : memref<1x1x128xf32, #tpu.memory_space<hbm>> -> memref<1x128xf32, #tpu.memory_space<hbm>>
      tpu.wait_dma2 semaphore(%run_scoped3A : memref<!tpu.dma_semaphore, #tpu.memory_space<semaphore_mem>>) src(%arg7 : memref<1x128xf32, #tpu.memory_space<vmem>>) dst(%dma_wait3A_750 : memref<1x128xf32, #tpu.memory_space<hbm>>)
      tpu.yield
    }) : () -> ()
    return
  }
}

module attributes {stable_mosaic.version = 14 : i64} {
  func.func @_second_order_body(%arg0: i32, %arg1: memref<416x512xf32, #tpu.memory_space<vmem>>, %arg2: memref<1x512xf32, #tpu.memory_space<vmem>>) attributes {dimension_semantics = [#tpu.dimension_semantics<arbitrary>], iteration_bounds = array<i64: 8>, scalar_prefetch = 0 : i64, scratch_operands = 0 : i64, tpu.core_type = #tpu.core_type<tc>, window_params = [{transform_indices = @transform_0, window_bounds = array<i64: 416, 512>}, {transform_indices = @transform_1, window_bounds = array<i64: 1, 512>}]} {
    %get3A = arith.constant 0 : index
    %get3A_0 = arith.constant 0 : index
    %get3A_1 = vector.load %arg1[%get3A, %get3A_0] : memref<416x512xf32, #tpu.memory_space<vmem>>, vector<416x512xf32>
    %reshape3A = vector.shape_cast %get3A_1 : vector<416x512xf32> to vector<26x16x512xf32>
    %reduce_sum3A = arith.constant dense<0.000000e+00> : vector<16x512xf32>
    %reduce_sum3A_2 = vector.multi_reduction <add>, %reshape3A, %reduce_sum3A [0] : vector<26x16x512xf32> to vector<16x512xf32>
    %mul3A = arith.mulf %get3A_1, %get3A_1 : vector<416x512xf32>
    %reduce_sum3A_3 = arith.constant dense<0.000000e+00> : vector<512xf32>
    %reduce_sum3A_4 = vector.multi_reduction <add>, %mul3A, %reduce_sum3A_3 [0] : vector<416x512xf32> to vector<512xf32>
    %broadcast_in_dim3A = vector.shape_cast %reduce_sum3A_4 : vector<512xf32> to vector<1x512xf32>
    %mul3A_5 = arith.mulf %reduce_sum3A_2, %reduce_sum3A_2 : vector<16x512xf32>
    %reduce_sum3A_6 = arith.constant dense<0.000000e+00> : vector<512xf32>
    %reduce_sum3A_7 = vector.multi_reduction <add>, %mul3A_5, %reduce_sum3A_6 [0] : vector<16x512xf32> to vector<512xf32>
    %broadcast_in_dim3A_8 = vector.shape_cast %reduce_sum3A_7 : vector<512xf32> to vector<1x512xf32>
    %sub3A = arith.subf %broadcast_in_dim3A_8, %broadcast_in_dim3A : vector<1x512xf32>
    %mul3A_9 = arith.constant 5.000000e-01 : f32
    %mul3A_10 = vector.broadcast %mul3A_9 : f32 to vector<1x512xf32>
    %mul3A_11 = arith.mulf %mul3A_10, %sub3A : vector<1x512xf32>
    %swap3A = arith.constant 0 : index
    %swap3A_12 = arith.constant 0 : index
    %swap3A_13 = vector.load %arg2[%swap3A, %swap3A_12] : memref<1x512xf32, #tpu.memory_space<vmem>>, vector<1x512xf32>
    tpu.vector_store %arg2[%swap3A, %swap3A_12], %mul3A_11 {strides = array<i32>} : memref<1x512xf32, #tpu.memory_space<vmem>>, vector<1x512xf32>,
    return
  }
  func.func @transform_0(%arg0: i32) -> (i32, i32) {
    %c0_i32 = arith.constant 0 : i32
    %c0_i32_0 = arith.constant 0 : i32
    return %c0_i32, %arg0 : i32, i32
  }
  func.func @transform_1(%arg0: i32) -> (i32, i32) {
    %c0_i32 = arith.constant 0 : i32
    %c0_i32_0 = arith.constant 0 : i32
    return %c0_i32, %arg0 : i32, i32
  }
}

</mosaic_0001>

<sc_bundles>
// kernel: kernel.4.cloned.1.call-start
scs
__scs_entry_jumppad:
0x0: {  	(pc) =	sbr.rel $0x88, $3  }
0x1: {  	(tag) =	ssettag $0x0;
	lr =	simm.s32 $0x1  }
0x2: {  	[smem:$0x3F9E] =	sst lr;
	_ =	strace $0xD0000000  }
0x3: {  	_ = 	snop  }
0x4: {  	_ = 	snop  }
0x5: {  	_ = 	snop  }
0x6: {  	_ = 	snop  }
0x7: {  	_ = 	snop  }
__scs_overlays_trampoline_lowered:
0x8: {  	[smem:$0x3FAD] =	sst s0  }
0x9: {  	[smem:$0x3FAE] =	sst s1  }
0xa: {  	[smem:$0x3FAF] =	sst s2  }
0xb: {  	[smem:$0x3FB0] =	sst s3  }
0xc: {  	[smem:$0x3FB1] =	sst s4  }
0xd: {  	[smem:$0x3FB2] =	sst s5  }
0xe: {  	[smem:$0x3FB3] =	sst s6  }
0xf: {  	[smem:$0x3FB4] =	sst s7  }
0x10: {  	[smem:$0x3FB5] =	sst s8  }
0x11: {  	[smem:$0x3FB6] =	sst s9;
	s0 =	simm.s32 @!p0 $0x0  }
0x12: {  	s1 =	sld [smem:$0x3F9C];
	s0 =	simm.s32 @p0 $0x1  }
0x13: {  	[smem:$0x3FB7] =	sst s0;
	s0 =	simm.s32 @!p1 $0x0  }
0x14: {  	s2 =	sld [smem:$0x3F9B];
	s0 =	simm.s32 @p1 $0x1  }
0x15: {  	[smem:$0x3FB8] =	sst s0;
	s0 =	simm.s32 @!p2 $0x0  }
0x16: {  	s3 =	sld [smem:$0x3FDB];
	s0 =	simm.s32 @p2 $0x1  }
0x17: {  	s4 =	simm.s32 $0x1BF5;
	[smem:$0x3FBA] =	sst s0  }
0x18: {  	s0 =	sld [smem:$0x3F9D];
	_ =	swait.ge [sflag:s4], $0x0  }
0x19: {  	s7 =	sld [smem:$0x3F9E]  }
0x1a: {  	s8 =	sadd.s32 $0xFFFFE003, lr  }
0x1b: {  	s9 =	sadd.s32 $0xFFFFFEF7, lr;
	s5 =	simm.s32 $0xFFFFFFFF;
	p2 =	slt.u32 s8, $0xFFFFF086  }
0x1c: {  	p1 =	slt.u32 s9, $0xF7A;
	s5 =	simm.s32 @!p2 $0x0  }
0x1d: {  	s5 =	simm.s32 @p1 $0x1;
	p0 =	seq.s32 s7, s2  }
0x1e: {  	s7 =	smul.u32 @!p0 $0xF7A, s2;
	p2 =	seq.s32 @!p0 s5, $0x0  }
0x1f: {  	s9 =	smul.u32 $0xF7A, s1;
	s8 =	simm.s32 @!p0 $0x1BF5;
	p2 =	por !p2, p0  }
0x20: {  	[sflag:s8] =	ssyncset.s32 @!p0 $0xFFFFF086;
	s6 =	sadd.s32 @!p0 s3, s7;
	s7 =	simm.s32 @!p0 $0x108  }
0x21: {  	s3 =	sadd.s32 s3, s9;
	s6 =	sadd.s32 @!p0 $0x88, s6;
	s7 =	simm.s32 @p2 $0x1082  }
0x22: {  	[simem:s7], [sflag:s8] =	dma.local @!p0 [hbm:s6], $0xF7A  }
0x23: {  	s9 =	sor.u32 $0xD0000000, s2;
	s6 =	simm.s32 $0x108;
	_ =	swait.ge @!p0 [sflag:s8], $0x0  }
0x24: {  	s3 =	sadd.s32 $0x88, s3;
	s6 =	simm.s32 @!p1 $0x1082;
	[sflag:s4] =	ssyncset.s32 $0xFFFFF086  }
0x25: {  	[simem:s6], [sflag:s4] =	dma.local [hbm:s3], $0xF7A  }
0x26: {  	[smem:$0x3F9E] =	sst s1;
	(tag) =	ssettag s2;
	_ =	strace s9  }
0x27: {  	s1 =	sld [smem:$0x3FAE]  }
0x28: {  	s2 =	sld [smem:$0x3FAF]  }
0x29: {  	s4 =	sld [smem:$0x3FB1]  }
0x2a: {  	p0 =	seq.s32 s5, $0x0;
	s5 =	sld [smem:$0x3FB2]  }
0x2b: {  	s6 =	sld [smem:$0x3FB3]  }
0x2c: {  	s7 =	sld [smem:$0x3FB4]  }
0x2d: {  	s3 =	simm.s32 $0x108;
	s8 =	sld [smem:$0x3FB5]  }
0x2e: {  	s3 =	simm.s32 @!p0 $0x1082;
	s9 =	sld [smem:$0x3FB6]  }
0x2f: {  	lr =	sadd.s32 s0, s3;
	s0 =	sld [smem:$0x3FAD]  }
0x30: {  	s3 =	sld [smem:$0x3FB0]  }
0x31: {  	[smem:$0x3FB9] =	sst s10  }
0x32: {  	s10 =	sld [smem:$0x3FB7];
	_ =	sdelay $0x3  }
0x33: {  	p0 =	seq.s32 s10, $0x1;
	s10 =	sld [smem:$0x3FB9];
	_ =	sdelay $0x3  }
0x34: {  	[smem:$0x3FB9] =	sst s10  }
0x35: {  	s10 =	sld [smem:$0x3FB8];
	_ =	sdelay $0x3  }
0x36: {  	p1 =	seq.s32 s10, $0x1;
	s10 =	sld [smem:$0x3FB9];
	_ =	sdelay $0x3  }
0x37: {  	[smem:$0x3FB9] =	sst s10  }
0x38: {  	s10 =	sld [smem:$0x3FBA]  }
0x39: {  	_ = 	snop;
	(pc) =	sbr.ind lr, $3  }
0x3a: {  	_ = 	snop  }
0x3b: {  	_ = 	snop  }
0x3c: {  	p2 =	seq.s32 s10, $0x1;
	s10 =	sld [smem:$0x3FB9]  }
0x3d: {  	_ =	shalt  }
0x3e: {  	_ =	shalt  }
0x3f: {  	_ =	shalt  }
0x40: {  	_ =	shalt  }
0x41: {  	_ =	shalt  }
0x42: {  	_ =	shalt  }
0x43: {  	_ =	shalt  }
0x44: {  	_ =	shalt  }
0x45: {  	_ =	shalt  }
0x46: {  	_ =	shalt  }
0x47: {  	_ =	shalt  }
0x48: {  	_ =	shalt  }
0x49: {  	_ =	shalt  }
0x4a: {  	_ =	shalt  }
0x4b: {  	_ =	shalt  }
0x4c: {  	_ =	shalt  }
0x4d: {  	_ =	shalt  }
0x4e: {  	_ =	shalt  }
0x4f: {  	_ =	shalt  }
0x50: {  	_ =	shalt  }
0x51: {  	_ =	shalt  }
0x52: {  	_ =	shalt  }
0x53: {  	_ =	shalt  }
0x54: {  	_ =	shalt  }
0x55: {  	_ =	shalt  }
0x56: {  	_ =	shalt  }
0x57: {  	_ =	shalt  }
0x58: {  	_ =	shalt  }
0x59: {  	_ =	shalt  }
0x5a: {  	_ =	shalt  }
0x5b: {  	_ =	shalt  }
0x5c: {  	_ =	shalt  }
0x5d: {  	_ =	shalt  }
0x5e: {  	_ =	shalt  }
0x5f: {  	_ =	shalt  }
0x60: {  	_ =	shalt  }
0x61: {  	_ =	shalt  }
0x62: {  	_ =	shalt  }
0x63: {  	_ =	shalt  }
0x64: {  	_ =	shalt  }
0x65: {  	_ =	shalt  }
0x66: {  	_ =	shalt  }
0x67: {  	_ =	shalt  }
0x68: {  	_ =	shalt  }
0x69: {  	_ =	shalt  }
0x6a: {  	_ =	shalt  }
0x6b: {  	_ =	shalt  }
0x6c: {  	_ =	shalt  }
0x6d: {  	_ =	shalt  }
0x6e: {  	_ =	shalt  }
0x6f: {  	_ =	shalt  }
0x70: {  	_ =	shalt  }
0x71: {  	_ =	shalt  }
0x72: {  	_ =	shalt  }
0x73: {  	_ =	shalt  }
0x74: {  	_ =	shalt  }
0x75: {  	_ =	shalt  }
0x76: {  	_ =	shalt  }
0x77: {  	_ =	shalt  }
0x78: {  	_ =	shalt  }
0x79: {  	_ =	shalt  }
0x7a: {  	_ =	shalt  }
0x7b: {  	_ =	shalt  }
0x7c: {  	_ =	shalt  }
0x7d: {  	_ =	shalt  }
0x7e: {  	_ =	shalt  }
0x7f: {  	_ =	shalt  }
0x80: {  	_ =	shalt  }
0x81: {  	_ =	shalt  }
0x82: {  	_ =	shalt  }
0x83: {  	_ =	shalt  }
0x84: {  	_ =	shalt  }
0x85: {  	_ =	shalt  }
0x86: {  	_ =	shalt  }
0x87: {  	_ =	shalt  }
.Lfunc_end0:
.L_simem_size_0:
called_computation_lowered:
.L_overlay_start_0:
0x88: {  	s2 =	sld [smem:$0x3FD9]  }
0x89: {  	s3 =	sld [smem:$0x3FFE];
	_ =	sdelay $0x1  }
0x8a: {  	s1 =	srdreg.scid  }
0x8b: {  	s0 =	sand.u32 $0x1, s1  }
0x8c: {  	s17 =	sshll.u32 s0, $0xA;
	s2 =	sadd.s32 s3, s2  }
0x8d: {  	s2 =	sadd.s32 s2, s17  }
0x8e: {  	[smem:$0x3FC5] =	sst s2  }
0x8f: {  	_ = 	snop  }
0x90: {  	s2 =	sld [smem:$0x3FC9]  }
0x91: {  	s18 =	sld [smem:$0x3FC7];
	(tm) =	ssettm $0x1  }
0x92: {  	s4 =	sld [smem:$0x3FFB];
	_ =	sdelay $0x3  }
0x93: {  	_ =	strace s4  }
0x94: {  	s4 =	sld [smem:$0x3FFC];
	_ =	sdelay $0x3  }
0x95: {  	_ =	strace s4  }
0x96: {  	s4 =	sld [smem:$0x3FFD];
	_ =	sdelay $0x3  }
0x97: {  	_ =	strace s4  }
0x98: {  	_ =	strace $0x8FFFFFFF  }
0x99: {  	s19 =	sld [smem:$0x3FDB];
	_ =	sdelay $0x1  }
0x9a: {  	s5 =	simm.s32 $_scs_section_size  }
0x9b: {  	s6 =	simm.s32 $_size__tile_overlayer_lowered;
	s7 =	simm.s32 $_tile_overlayer_lowered  }
0x9c: {  	s22 =	simm.s32 $0x1BFF;
	s21 =	sshll.u32 s7, $0x1;
	s4 =	sadd.s32 s5, s19  }
0x9d: {  	s8 =	simm.s32 $0x0;
	s20 =	sshll.u32 s6, $0x1;
	s6 =	sadd.s32 s21, s4  }
0x9e: {  	[timem:s8], [sflag:s22] =	dma.local [hbm:s6], s20  }
0x9f: {  	_ =	swait.ge [sflag:s22], s20  }
0xa0: {  	s5 =	ssub.s32 $0x0, s20;
	[sflag:s22] =	ssyncset.done $0x0  }
0xa1: {  	[sflag:s22] =	ssyncadd.s32 s5;
	_ =	sdelay $0x1  }
0xa2: {  	s23 =	simm.s32 $0x1B8B  }
0xa3: {  	_ =	swait.ge [sflag:s23], $0x1  }
0xa4: {  	[sflag:s23] =	ssyncset.done $0x0  }
0xa5: {  	s25 =	simm.s32 $0x1B8E;
	s24 =	sld [smem:$0x3FFE];
	[sflag:s23] =	ssyncadd.s32 $0xFFFFFFFF  }
0xa6: {  	s26 =	simm.s32 $execute0_lowered;
	[smem:$0x3FD2] =	sst s25  }
0xa7: {  	s6 =	sshll.u32 s26, $0x1;
	_ =	strace $0x80000046;
	[dreg:$0x1] =	wrdreg $0xFFFFFFFF  }
0xa8: {  	s28 =	simm.s32 $_size_execute0_lowered;
	s4 =	sadd.s32 s4, s6;
	[dreg:$0x0] =	wrdreg $0x0  }
0xa9: {  	s6 =	sshll.u32 s28, $0x1;
	[dreg:$0x2] =	wrdreg s4  }
0xaa: {  	[dreg:$0x3] =	wrdreg s6  }
0xab: {  	[dreg:$0x4] =	wrdreg $0xC0  }
0xac: {  	_ =	task [dreg:s8], $0x5FFFF  }
0xad: {  	[dreg:$0x1] =	wrdreg $0xFFFFFFFF  }
0xae: {  	[dreg:$0x0] =	wrdreg $0x60  }
0xaf: {  	[dreg:$0x2] =	wrdreg s2  }
0xb0: {  	[dreg:$0x3] =	wrdreg s18  }
0xb1: {  	[dreg:$0x4] =	wrdreg s24  }
0xb2: {  	[dreg:$0x5] =	wrdreg $0x9  }
0xb3: {  	_ =	task.clear_ibuf [dreg:s8], $0x6FFFF;
	_ =	strace $0x90000046  }
0xb4: {  	s29 =	simm.s32 $0x9;
	_ =	strace $0x80000048  }
0xb5: {  	_ =	swait.ge [sflag:s29], $0x1  }
0xb6: {  	[sflag:s29] =	ssyncadd.s32 $0xFFFFFFFF  }
0xb7: {  	_ =	strace $0x90000048  }
0xb8: {  	_ =	sfence  }
0xb9: {  	s30 =	sld [smem:$0x0];
	_ =	sdelay $0x2  }
0xba: {  	s31 =	sshll.u32 s1, $0xD;
	s1 =	sshrl.u32 s1, $0x2  }
0xbb: {  	s3 =	sand.u32 $0x4000, s31;
	s1 =	sadd.s32 s1, s30  }
0xbc: {  	s0 =	sor.u32 s3, s0;
	s1 =	sshll.u32 s1, $0x11  }
0xbd: {  	s0 =	sor.u32 s1, s0  }
0xbe: {  	s0 =	sadd.s32 $0x8F2B, s0  }
0xbf: {  	[sflag:s0] =	ssyncadd.remote.s32 $0x1  }
0xc0: {  	_ =	sfence.sel $0xFFFF  }
0xc1: {  	[dreg:$0x0] =	wrdreg $0xFFFFFFFF;
	(pc) =	sbr.abs _section_cstart, $3  }
0xc2: {  	[dreg:$0x1] =	wrdreg $0xFFFFFFFF  }
0xc3: {  	_ =	task.clear_ibuf [dreg:s8], $0x2FFFF;
	_ =	strace $0x9FFFFFFF  }
0xc4: {  	(tm) =	ssettm $0x7FFFFFFF  }
0xc5: {  	_ =	shalt  }
tec
execute0_lowered:
.L_overlay_start_1:
0x0: {  	(tag) =	ssettag $0x1  }
0x1: {  	s0 =	rddreg [dreg:$0x0]  }
0x2: {  	s2 =	rddreg [dreg:$0x1]  }
0x3: {  	s1 =	rddreg [dreg:$0x2]  }
0x4: {  	s3 =	srdreg.scid;
	s5 =	stileid.u32;
	s8 =	simm.s32 $0x400  }
0x5: {  	s10 =	simm.s32 $0xC00;
	s11 =	simm.s32 $0x2;
	s12 =	simm.s32 $0x80  }
0x6: {  	s28 =	simm.s32 $0x980;
	s29 =	simm.s32 $0x1980;
	s30 =	simm.s32 $0xA00  }
0x7: {  	s31 =	simm.s32 $0x1A00;
	s9 =	simm.s32 $0xB00;
	s13 =	simm.s32 $0x1B00  }
0x8: {  	s14 =	simm.s32 $0xB80;
	s15 =	simm.s32 $0x1B80;
	s16 =	simm.s32 $0x1C00  }
0x9: {  	s17 =	simm.s32 $0xC80;
	s18 =	simm.s32 $0x1C80;
	s19 =	simm.s32 $0x1  }
0xa: {  	s20 =	simm.s32 $0x2000;
	s21 =	simm.s32 $0x0;
	s4 =	sand.u32 $0x1, s3  }
0xb: {  	s3 =	simm.s32 $0x0;
	s5 =	sshll.u32 s5, $0x8;
	s6 =	sshll.u32 s4, $0x7  }
0xc: {  	[smem:$0x7FF] =	sst s3;
	s7 =	ssub.s32 $0x2, s4;
	s5 =	sor.u32 s6, s5  }
0xd: {  	_ =	strace $0x80000047;
	s25 =	sshrl.u32 s7, $0x1;
	s6 =	sshrl.u32 s5, $0x3  }
0xe: {  	s4 =	sadd.s32 s0, s5;
	s26 =	ssub.s32 s7, s25;
	s0 =	simm.s32 $0xA80  }
0xf: {  	s1 =	sadd.s32 s6, s1;
	s5 =	sadd.s32 $0x3000, s4;
	s7 =	smax.u32 s26, $0x1  }
0x10: {  	s26 =	simm.s32 $0x1900;
	s6 =	sadd.s32 $0x600, s1;
	s1 =	simm.s32 $0x1A80  }
.LBB2_1:
0x11: {  	s22 =	simm.s32 $0x8000  }
0x12: {  	[tilespmem:s3], [sflag:$0x2] =	stream.strided.gather [hbm4b:s4+s8], $0xC00, s22, s8, $0x38;
	[tilespmem:$0x2080] =	vst v63  }
0x13: {  	_ = 	snop  }
0x14: {  	[tilespmem:s10], [sflag:$0x2] =	stream.linear.gather [hbm4b:s5+s3], $0x100, $0x38;
	[tilespmem:$0x2080] =	vst v63  }
0x15: {  	_ =	swait.ge [sflag:s11], $0xD00  }
0x16: {  	[sflag:s11] =	ssyncset.done $0x0  }
0x17: {  	s23 =	simm.s32 $0x1000;
	[sflag:s11] =	ssyncadd.s32 $0xFFFFF300  }
0x18: {  	[tilespmem:s23], [sflag:$0x1] =	stream.indirect.gather [hbm4b:s2+s12], $0x1, s3, s12, $0xb8;
	[tilespmem:$0x2080] =	vst v63  }
0x19: {  	s24 =	simm.s32 $0x1080  }
0x1a: {  	[tilespmem:s24], [sflag:$0x1] =	stream.indirect.gather [hbm4b:s2+s12], $0x1, s12, s12, $0xb8;
	[tilespmem:$0x2080] =	vst v63  }
0x1b: {  	s25 =	simm.s32 $0x100;
	s23 =	simm.s32 $0x1100  }
0x1c: {  	[tilespmem:s23], [sflag:$0x1] =	stream.indirect.gather [hbm4b:s2+s12], $0x1, s25, s12, $0xb8;
	[tilespmem:$0x2080] =	vst v63  }
0x1d: {  	s24 =	simm.s32 $0x180;
	s25 =	simm.s32 $0x1180  }
0x1e: {  	[tilespmem:s25], [sflag:$0x1] =	stream.indirect.gather [hbm4b:s2+s12], $0x1, s24, s12, $0xb8;
	[tilespmem:$0x2080] =	vst v63  }
0x1f: {  	s24 =	simm.s32 $0x200;
	s25 =	simm.s32 $0x1200  }
0x20: {  	[tilespmem:s25], [sflag:$0x1] =	stream.indirect.gather [hbm4b:s2+s12], $0x1, s24, s12, $0xb8;
	[tilespmem:$0x2080] =	vst v63  }
0x21: {  	s24 =	simm.s32 $0x280;
	s25 =	simm.s32 $0x1280  }
0x22: {  	[tilespmem:s25], [sflag:$0x1] =	stream.indirect.gather [hbm4b:s2+s12], $0x1, s24, s12, $0xb8;
	[tilespmem:$0x2080] =	vst v63  }
0x23: {  	s24 =	simm.s32 $0x300;
	s25 =	simm.s32 $0x1300  }
0x24: {  	[tilespmem:s25], [sflag:$0x1] =	stream.indirect.gather [hbm4b:s2+s12], $0x1, s24, s12, $0xb8;
	[tilespmem:$0x2080] =	vst v63  }
0x25: {  	s24 =	simm.s32 $0x380;
	s25 =	simm.s32 $0x1380  }
0x26: {  	[tilespmem:s25], [sflag:$0x1] =	stream.indirect.gather [hbm4b:s2+s12], $0x1, s24, s12, $0xb8;
	[tilespmem:$0x2080] =	vst v63  }
0x27: {  	s23 =	simm.s32 $0x1400  }
0x28: {  	[tilespmem:s23], [sflag:$0x1] =	stream.indirect.gather [hbm4b:s2+s12], $0x1, s8, s12, $0xb8;
	[tilespmem:$0x2080] =	vst v63  }
0x29: {  	s24 =	simm.s32 $0x480;
	s25 =	simm.s32 $0x1480  }
0x2a: {  	[tilespmem:s25], [sflag:$0x1] =	stream.indirect.gather [hbm4b:s2+s12], $0x1, s24, s12, $0xb8;
	[tilespmem:$0x2080] =	vst v63  }
0x2b: {  	s24 =	simm.s32 $0x500;
	s25 =	simm.s32 $0x1500  }
0x2c: {  	[tilespmem:s25], [sflag:$0x1] =	stream.indirect.gather [hbm4b:s2+s12], $0x1, s24, s12, $0xb8;
	[tilespmem:$0x2080] =	vst v63  }
0x2d: {  	s24 =	simm.s32 $0x580;
	s25 =	simm.s32 $0x1580  }
0x2e: {  	[tilespmem:s25], [sflag:$0x1] =	stream.indirect.gather [hbm4b:s2+s12], $0x1, s24, s12, $0xb8;
	[tilespmem:$0x2080] =	vst v63  }
0x2f: {  	s24 =	simm.s32 $0x600;
	s25 =	simm.s32 $0x1600  }
0x30: {  	[tilespmem:s25], [sflag:$0x1] =	stream.indirect.gather [hbm4b:s2+s12], $0x1, s24, s12, $0xb8;
	[tilespmem:$0x2080] =	vst v63  }
0x31: {  	s24 =	simm.s32 $0x680;
	s25 =	simm.s32 $0x1680  }
0x32: {  	[tilespmem:s25], [sflag:$0x1] =	stream.indirect.gather [hbm4b:s2+s12], $0x1, s24, s12, $0xb8;
	[tilespmem:$0x2080] =	vst v63  }
0x33: {  	s24 =	simm.s32 $0x700;
	s25 =	simm.s32 $0x1700  }
0x34: {  	[tilespmem:s25], [sflag:$0x1] =	stream.indirect.gather [hbm4b:s2+s12], $0x1, s24, s12, $0xb8;
	[tilespmem:$0x2080] =	vst v63  }
0x35: {  	s24 =	simm.s32 $0x780;
	s25 =	simm.s32 $0x1780  }
0x36: {  	[tilespmem:s25], [sflag:$0x1] =	stream.indirect.gather [hbm4b:s2+s12], $0x1, s24, s12, $0xb8;
	[tilespmem:$0x2080] =	vst v63  }
0x37: {  	s24 =	simm.s32 $0x800;
	s25 =	simm.s32 $0x1800  }
0x38: {  	[tilespmem:s25], [sflag:$0x1] =	stream.indirect.gather [hbm4b:s2+s12], $0x1, s24, s12, $0xb8;
	[tilespmem:$0x2080] =	vst v63  }
0x39: {  	s23 =	simm.s32 $0x880;
	s24 =	simm.s32 $0x1880  }
0x3a: {  	[tilespmem:s24], [sflag:$0x1] =	stream.indirect.gather [hbm4b:s2+s12], $0x1, s23, s12, $0xb8;
	[tilespmem:$0x2080] =	vst v63  }
0x3b: {  	s25 =	simm.s32 $0x900  }
0x3c: {  	[tilespmem:s26], [sflag:$0x1] =	stream.indirect.gather [hbm4b:s2+s12], $0x1, s25, s12, $0xb8;
	[tilespmem:$0x2080] =	vst v63  }
0x3d: {  	_ = 	snop  }
0x3e: {  	[tilespmem:s29], [sflag:$0x1] =	stream.indirect.gather [hbm4b:s2+s12], $0x1, s28, s12, $0xb8;
	[tilespmem:$0x2080] =	vst v63  }
0x3f: {  	_ = 	snop  }
0x40: {  	[tilespmem:s31], [sflag:$0x1] =	stream.indirect.gather [hbm4b:s2+s12], $0x1, s30, s12, $0xb8;
	[tilespmem:$0x2080] =	vst v63  }
0x41: {  	_ = 	snop  }
0x42: {  	[tilespmem:s1], [sflag:$0x1] =	stream.indirect.gather [hbm4b:s2+s12], $0x1, s0, s12, $0xb8;
	[tilespmem:$0x2080] =	vst v63  }
0x43: {  	_ = 	snop  }
0x44: {  	[tilespmem:s13], [sflag:$0x1] =	stream.indirect.gather [hbm4b:s2+s12], $0x1, s9, s12, $0xb8;
	[tilespmem:$0x2080] =	vst v63  }
0x45: {  	_ = 	snop  }
0x46: {  	[tilespmem:s15], [sflag:$0x1] =	stream.indirect.gather [hbm4b:s2+s12], $0x1, s14, s12, $0xb8;
	[tilespmem:$0x2080] =	vst v63  }
0x47: {  	_ = 	snop  }
0x48: {  	[tilespmem:s16], [sflag:$0x1] =	stream.indirect.gather [hbm4b:s2+s12], $0x1, s10, s12, $0xb8;
	[tilespmem:$0x2080] =	vst v63  }
0x49: {  	_ = 	snop  }
0x4a: {  	[tilespmem:s18], [sflag:$0x1] =	stream.indirect.gather [hbm4b:s2+s12], $0x1, s17, s12, $0xb8;
	[tilespmem:$0x2080] =	vst v63  }
0x4b: {  	_ =	swait.ge [sflag:s19], $0x80  }
0x4c: {  	[sflag:s19] =	ssyncset.done $0x0  }
0x4d: {  	[sflag:s19] =	ssyncadd.s32 $0xFFFFFF80  }
0x4e: {  	_ =	swait.ge [sflag:s19], $0x80  }
0x4f: {  	[sflag:s19] =	ssyncset.done $0x0  }
0x50: {  	[sflag:s19] =	ssyncadd.s32 $0xFFFFFF80  }
0x51: {  	_ =	swait.ge [sflag:s19], $0x80  }
0x52: {  	[sflag:s19] =	ssyncset.done $0x0  }
0x53: {  	[sflag:s19] =	ssyncadd.s32 $0xFFFFFF80  }
0x54: {  	_ =	swait.ge [sflag:s19], $0x80  }
0x55: {  	[sflag:s19] =	ssyncset.done $0x0  }
0x56: {  	[sflag:s19] =	ssyncadd.s32 $0xFFFFFF80  }
0x57: {  	_ =	swait.ge [sflag:s19], $0x80  }
0x58: {  	[sflag:s19] =	ssyncset.done $0x0  }
0x59: {  	[sflag:s19] =	ssyncadd.s32 $0xFFFFFF80  }
0x5a: {  	_ =	swait.ge [sflag:s19], $0x80  }
0x5b: {  	[sflag:s19] =	ssyncset.done $0x0  }
0x5c: {  	[sflag:s19] =	ssyncadd.s32 $0xFFFFFF80  }
0x5d: {  	_ =	swait.ge [sflag:s19], $0x80  }
0x5e: {  	[sflag:s19] =	ssyncset.done $0x0  }
0x5f: {  	[sflag:s19] =	ssyncadd.s32 $0xFFFFFF80  }
0x60: {  	_ =	swait.ge [sflag:s19], $0x80  }
0x61: {  	[sflag:s19] =	ssyncset.done $0x0  }
0x62: {  	[sflag:s19] =	ssyncadd.s32 $0xFFFFFF80  }
0x63: {  	_ =	swait.ge [sflag:s19], $0x80  }
0x64: {  	[sflag:s19] =	ssyncset.done $0x0  }
0x65: {  	[sflag:s19] =	ssyncadd.s32 $0xFFFFFF80  }
0x66: {  	_ =	swait.ge [sflag:s19], $0x80  }
0x67: {  	[sflag:s19] =	ssyncset.done $0x0  }
0x68: {  	[sflag:s19] =	ssyncadd.s32 $0xFFFFFF80  }
0x69: {  	_ =	swait.ge [sflag:s19], $0x80  }
0x6a: {  	[sflag:s19] =	ssyncset.done $0x0  }
0x6b: {  	[sflag:s19] =	ssyncadd.s32 $0xFFFFFF80  }
0x6c: {  	_ =	swait.ge [sflag:s19], $0x80  }
0x6d: {  	[sflag:s19] =	ssyncset.done $0x0  }
0x6e: {  	[sflag:s19] =	ssyncadd.s32 $0xFFFFFF80  }
0x6f: {  	_ =	swait.ge [sflag:s19], $0x80  }
0x70: {  	[sflag:s19] =	ssyncset.done $0x0  }
0x71: {  	[sflag:s19] =	ssyncadd.s32 $0xFFFFFF80  }
0x72: {  	_ =	swait.ge [sflag:s19], $0x80  }
0x73: {  	[sflag:s19] =	ssyncset.done $0x0  }
0x74: {  	[sflag:s19] =	ssyncadd.s32 $0xFFFFFF80  }
0x75: {  	_ =	swait.ge [sflag:s19], $0x80  }
0x76: {  	[sflag:s19] =	ssyncset.done $0x0  }
0x77: {  	[sflag:s19] =	ssyncadd.s32 $0xFFFFFF80  }
0x78: {  	_ =	swait.ge [sflag:s19], $0x80  }
0x79: {  	[sflag:s19] =	ssyncset.done $0x0  }
0x7a: {  	[sflag:s19] =	ssyncadd.s32 $0xFFFFFF80  }
0x7b: {  	_ =	swait.ge [sflag:s19], $0x80  }
0x7c: {  	[sflag:s19] =	ssyncset.done $0x0  }
0x7d: {  	[sflag:s19] =	ssyncadd.s32 $0xFFFFFF80  }
0x7e: {  	_ =	swait.ge [sflag:s19], $0x80  }
0x7f: {  	[sflag:s19] =	ssyncset.done $0x0  }
0x80: {  	[sflag:s19] =	ssyncadd.s32 $0xFFFFFF80  }
0x81: {  	_ =	swait.ge [sflag:s19], $0x80  }
0x82: {  	[sflag:s19] =	ssyncset.done $0x0  }
0x83: {  	[sflag:s19] =	ssyncadd.s32 $0xFFFFFF80  }
0x84: {  	_ =	swait.ge [sflag:s19], $0x80  }
0x85: {  	[sflag:s19] =	ssyncset.done $0x0  }
0x86: {  	[sflag:s19] =	ssyncadd.s32 $0xFFFFFF80  }
0x87: {  	_ =	swait.ge [sflag:s19], $0x80  }
0x88: {  	[sflag:s19] =	ssyncset.done $0x0  }
0x89: {  	[sflag:s19] =	ssyncadd.s32 $0xFFFFFF80  }
0x8a: {  	_ =	swait.ge [sflag:s19], $0x80  }
0x8b: {  	[sflag:s19] =	ssyncset.done $0x0  }
0x8c: {  	[sflag:s19] =	ssyncadd.s32 $0xFFFFFF80  }
0x8d: {  	_ =	swait.ge [sflag:s19], $0x80  }
0x8e: {  	[sflag:s19] =	ssyncset.done $0x0  }
0x8f: {  	[sflag:s19] =	ssyncadd.s32 $0xFFFFFF80  }
0x90: {  	_ =	swait.ge [sflag:s19], $0x80  }
0x91: {  	[sflag:s19] =	ssyncset.done $0x0  }
0x92: {  	[sflag:s19] =	ssyncadd.s32 $0xFFFFFF80  }
0x93: {  	_ =	swait.ge [sflag:s19], $0x80  }
0x94: {  	[sflag:s19] =	ssyncset.done $0x0  }
0x95: {  	[sflag:s19] =	ssyncadd.s32 $0xFFFFFF80  }
0x96: {  	_ =	swait.ge [sflag:s19], $0x80  }
0x97: {  	[sflag:s19] =	ssyncset.done $0x0  }
0x98: {  	s23 =	simm.s32 $0x0;
	[sflag:s19] =	ssyncadd.s32 $0xFFFFFF80  }
0x99: {  	v0 =	vld [tilespmem:s23+$0x1000]  }
0x9a: {  	v1 =	vld [tilespmem:s23+$0x1080];
	_ =	sdelay $0x1  }
0x9b: {  	v2 =	vld [tilespmem:s23+$0x1100];
	_ =	sdelay $0x1  }
0x9c: {  	v3 =	vld [tilespmem:s23+$0x1180]  }
0x9d: {  	v0 =	vadd.f32 v1, v0  }
0x9e: {  	v1 =	vld [tilespmem:s23+$0x1200]  }
0x9f: {  	v0 =	vadd.f32 v2, v0  }
0xa0: {  	v2 =	vld [tilespmem:s23+$0x1280]  }
0xa1: {  	v0 =	vadd.f32 v3, v0  }
0xa2: {  	v3 =	vld [tilespmem:s23+$0x1300]  }
0xa3: {  	v0 =	vadd.f32 v1, v0  }
0xa4: {  	v1 =	vld [tilespmem:s23+$0x1380]  }
0xa5: {  	v0 =	vadd.f32 v2, v0  }
0xa6: {  	v2 =	vld [tilespmem:s23+$0x1400]  }
0xa7: {  	v0 =	vadd.f32 v3, v0  }
0xa8: {  	v3 =	vld [tilespmem:s23+$0x1480]  }
0xa9: {  	v0 =	vadd.f32 v1, v0  }
0xaa: {  	v1 =	vld [tilespmem:s23+$0x1500]  }
0xab: {  	v0 =	vadd.f32 v2, v0  }
0xac: {  	v2 =	vld [tilespmem:s23+$0x1580]  }
0xad: {  	v0 =	vadd.f32 v3, v0  }
0xae: {  	v3 =	vld [tilespmem:s23+$0x1600]  }
0xaf: {  	s22 =	simm.s32 $0x10;
	v4 =	vld [tilespmem:s23+$0x1680];
	v0 =	vadd.f32 v1, v0  }
0xb0: {  	v5 =	vld [tilespmem:s22+$0x1000]  }
0xb1: {  	v1 =	vld [tilespmem:s23+$0x1700];
	v0 =	vadd.f32 v2, v0  }
0xb2: {  	v2 =	vld [tilespmem:s22+$0x1080]  }
0xb3: {  	v6 =	vld [tilespmem:s22+$0x1100];
	v0 =	vadd.f32 v3, v0  }
0xb4: {  	v3 =	vld [tilespmem:s23+$0x1780]  }
0xb5: {  	v7 =	vld [tilespmem:s22+$0x1180];
	v0 =	vadd.f32 v4, v0  }
0xb6: {  	v4 =	vld [tilespmem:s23+$0x1800]  }
0xb7: {  	v2 =	vadd.f32 v2, v5;
	v5 =	vld [tilespmem:s22+$0x1200];
	v0 =	vadd.f32 v1, v0  }
0xb8: {  	v1 =	vld [tilespmem:s23+$0x1880]  }
0xb9: {  	v2 =	vadd.f32 v6, v2;
	v6 =	vld [tilespmem:s22+$0x1280];
	v0 =	vadd.f32 v3, v0  }
0xba: {  	v3 =	vld [tilespmem:s23+$0x1900]  }
0xbb: {  	v2 =	vadd.f32 v7, v2;
	v7 =	vld [tilespmem:s22+$0x1300];
	v0 =	vadd.f32 v4, v0  }
0xbc: {  	v4 =	vld [tilespmem:s23+$0x1980]  }
0xbd: {  	v2 =	vadd.f32 v5, v2;
	v5 =	vld [tilespmem:s22+$0x1380];
	v0 =	vadd.f32 v1, v0  }
0xbe: {  	v1 =	vld [tilespmem:s23+$0x1A00]  }
0xbf: {  	v2 =	vadd.f32 v6, v2;
	v6 =	vld [tilespmem:s22+$0x1400];
	v0 =	vadd.f32 v3, v0  }
0xc0: {  	v3 =	vld [tilespmem:s23+$0x1A80]  }
0xc1: {  	v2 =	vadd.f32 v7, v2;
	v7 =	vld [tilespmem:s22+$0x1480];
	v0 =	vadd.f32 v4, v0  }
0xc2: {  	v4 =	vld [tilespmem:s23+$0x1B00]  }
0xc3: {  	v2 =	vadd.f32 v5, v2;
	v5 =	vld [tilespmem:s22+$0x1500];
	v0 =	vadd.f32 v1, v0  }
0xc4: {  	v1 =	vld [tilespmem:s23+$0x1B80]  }
0xc5: {  	v8 =	vld [tilespmem:s22+$0x1580];
	v2 =	vadd.f32 v6, v2;
	v0 =	vadd.f32 v3, v0  }
0xc6: {  	v6 =	vld [tilespmem:s23+$0x1C00]  }
0xc7: {  	v3 =	vld [tilespmem:s22+$0x1600];
	v7 =	vadd.f32 v7, v2;
	v4 =	vadd.f32 v4, v0  }
0xc8: {  	v2 =	vld [tilespmem:s23+$0x1C80]  }
0xc9: {  	v0 =	vld [tilespmem:s22+$0x1700];
	v5 =	vadd.f32 v5, v7;
	v7 =	vadd.f32 v1, v4  }
0xca: {  	s24 =	simm.s32 $0x20;
	v4 =	vld [tilespmem:s22+$0x1680]  }
0xcb: {  	s25 =	simm.s32 $0xC0;
	v1 =	vld [tilespmem:s24+$0x1000];
	v5 =	vadd.f32 v8, v5;
	v6 =	vadd.f32 v6, v7  }
.LBB2_2:
0xcc: {  	p0 =	sne.s32 s25, $0x1C0;
	v7 =	vld [tilespmem:s24+$0x1080]  }
0xcd: {  	v3 =	vadd.f32 v3, v5;
	v5 =	vld [tilespmem:s22+$0x1780];
	v2 =	vadd.f32 v2, v6  }
0xce: {  	v6 =	vld [tilespmem:s24+$0x1100]  }
0xcf: {  	v3 =	vadd.f32 v4, v3;
	v4 =	vld [tilespmem:s22+$0x1800];
	[tilespmem:s23+$0x2000] =	vst v2;
	s23 =	smov.u32 s22;
	s22 =	smov.u32 s24  }
0xd0: {  	v2 =	vld [tilespmem:s22+$0x1180]  }
0xd1: {  	v1 =	vadd.f32 v7, v1;
	v0 =	vadd.f32 v0, v3;
	v3 =	vld [tilespmem:s23+$0x1880]  }
0xd2: {  	v7 =	vld [tilespmem:s22+$0x1200]  }
0xd3: {  	v1 =	vadd.f32 v6, v1;
	v0 =	vadd.f32 v5, v0;
	v5 =	vld [tilespmem:s23+$0x1900]  }
0xd4: {  	v6 =	vld [tilespmem:s22+$0x1280]  }
0xd5: {  	v1 =	vadd.f32 v2, v1;
	v0 =	vadd.f32 v4, v0;
	v2 =	vld [tilespmem:s23+$0x1980]  }
0xd6: {  	v4 =	vld [tilespmem:s22+$0x1300]  }
0xd7: {  	v1 =	vadd.f32 v7, v1;
	v0 =	vadd.f32 v3, v0;
	v3 =	vld [tilespmem:s23+$0x1A00]  }
0xd8: {  	v7 =	vld [tilespmem:s22+$0x1380]  }
0xd9: {  	v1 =	vadd.f32 v6, v1;
	v0 =	vadd.f32 v5, v0;
	v5 =	vld [tilespmem:s23+$0x1A80]  }
0xda: {  	v6 =	vld [tilespmem:s22+$0x1400]  }
0xdb: {  	v1 =	vadd.f32 v4, v1;
	v0 =	vadd.f32 v2, v0;
	v2 =	vld [tilespmem:s23+$0x1B00]  }
0xdc: {  	v4 =	vld [tilespmem:s22+$0x1480]  }
0xdd: {  	v1 =	vadd.f32 v7, v1;
	v0 =	vadd.f32 v3, v0;
	v7 =	vld [tilespmem:s23+$0x1B80]  }
0xde: {  	v8 =	vld [tilespmem:s22+$0x1500]  }
0xdf: {  	v1 =	vadd.f32 v6, v1;
	v0 =	vadd.f32 v5, v0;
	v6 =	vld [tilespmem:s23+$0x1C00]  }
0xe0: {  	v5 =	vld [tilespmem:s22+$0x1580]  }
.Ltmp0:
0xe1: {  	v1 =	vadd.f32 v4, v1;
	v4 =	vadd.f32 v2, v0;
	v2 =	vld [tilespmem:s23+$0x1C80];
	(pc) =	sbr.rel @p0 .LBB2_2-.Ltmp0, $4  }
0xe2: {  	v3 =	vld [tilespmem:s22+$0x1600]  }
0xe3: {  	v8 =	vadd.f32 v8, v1;
	v0 =	vld [tilespmem:s22+$0x1700];
	v7 =	vadd.f32 v7, v4  }
0xe4: {  	s24 =	sshra.s32 s25, $0x2;
	v4 =	vld [tilespmem:s22+$0x1680]  }
0xe5: {  	s25 =	sadd.s32 $0x40, s25;
	v1 =	vld [tilespmem:s24+$0x1000];
	v5 =	vadd.f32 v5, v8;
	v6 =	vadd.f32 v6, v7  }
0xe6: {  	v7 =	vld [tilespmem:s24+$0x1080]  }
0xe7: {  	v8 =	vld [tilespmem:s22+$0x1780];
	v2 =	vadd.f32 v2, v6  }
0xe8: {  	v31 =	vld [tilespmem:s24+$0x1100]  }
0xe9: {  	v9 =	vld [tilespmem:s22+$0x1800];
	v3 =	vadd.f32 v3, v5;
	[tilespmem:s23+$0x2000] =	vst v2  }
0xea: {  	v2 =	vld [tilespmem:s24+$0x1180]  }
0xeb: {  	v3 =	vadd.f32 v4, v3;
	v1 =	vadd.f32 v7, v1  }
0xec: {  	v32 =	vld [tilespmem:s24+$0x1200]  }
0xed: {  	v33 =	vld [tilespmem:s22+$0x1880];
	v0 =	vadd.f32 v0, v3;
	v1 =	vadd.f32 v31, v1  }
0xee: {  	v34 =	vld [tilespmem:s24+$0x1280]  }
0xef: {  	v35 =	vld [tilespmem:s22+$0x1900];
	v0 =	vadd.f32 v8, v0;
	v1 =	vadd.f32 v2, v1  }
0xf0: {  	v36 =	vld [tilespmem:s24+$0x1300]  }
0xf1: {  	v37 =	vld [tilespmem:s22+$0x1980];
	v0 =	vadd.f32 v9, v0;
	v1 =	vadd.f32 v32, v1  }
0xf2: {  	v38 =	vld [tilespmem:s24+$0x1380]  }
0xf3: {  	v39 =	vld [tilespmem:s22+$0x1A00];
	v0 =	vadd.f32 v33, v0;
	v1 =	vadd.f32 v34, v1  }
0xf4: {  	v40 =	vld [tilespmem:s24+$0x1400]  }
0xf5: {  	v41 =	vld [tilespmem:s22+$0x1A80];
	v0 =	vadd.f32 v35, v0;
	v1 =	vadd.f32 v36, v1  }
0xf6: {  	v42 =	vld [tilespmem:s24+$0x1480]  }
0xf7: {  	v43 =	vld [tilespmem:s22+$0x1B00];
	v0 =	vadd.f32 v37, v0;
	v1 =	vadd.f32 v38, v1  }
0xf8: {  	v44 =	vld [tilespmem:s24+$0x1500]  }
0xf9: {  	v45 =	vld [tilespmem:s22+$0x1B80];
	v0 =	vadd.f32 v39, v0;
	v1 =	vadd.f32 v40, v1  }
0xfa: {  	v46 =	vld [tilespmem:s24+$0x1580]  }
0xfb: {  	v47 =	vld [tilespmem:s22+$0x1C00];
	v0 =	vadd.f32 v41, v0;
	v1 =	vadd.f32 v42, v1  }
0xfc: {  	v48 =	vld [tilespmem:s24+$0x1600]  }
0xfd: {  	v49 =	vld [tilespmem:s22+$0x1C80];
	v0 =	vadd.f32 v43, v0;
	v1 =	vadd.f32 v44, v1  }
0xfe: {  	v50 =	vld [tilespmem:s24+$0x1680]  }
0xff: {  	v0 =	vadd.f32 v45, v0;
	v1 =	vadd.f32 v46, v1  }
0x100: {  	v51 =	vld [tilespmem:s24+$0x1700]  }
0x101: {  	v0 =	vadd.f32 v47, v0;
	v1 =	vadd.f32 v48, v1  }
0x102: {  	v52 =	vld [tilespmem:s24+$0x1780]  }
0x103: {  	v0 =	vadd.f32 v49, v0;
	v1 =	vadd.f32 v50, v1  }
0x104: {  	v53 =	vld [tilespmem:s24+$0x1800]  }
0x105: {  	[tilespmem:s22+$0x2000] =	vst v0;
	v54 =	vadd.f32 v51, v1  }
0x106: {  	v55 =	vld [tilespmem:s24+$0x1880]  }
0x107: {  	v0 =	vadd.f32 v52, v54  }
0x108: {  	v56 =	vld [tilespmem:s24+$0x1900]  }
0x109: {  	v0 =	vadd.f32 v53, v0  }
0x10a: {  	v57 =	vld [tilespmem:s24+$0x1980]  }
0x10b: {  	v0 =	vadd.f32 v55, v0  }
0x10c: {  	v58 =	vld [tilespmem:s24+$0x1A00]  }
0x10d: {  	v0 =	vadd.f32 v56, v0  }
0x10e: {  	v59 =	vld [tilespmem:s24+$0x1A80]  }
0x10f: {  	v0 =	vadd.f32 v57, v0  }
0x110: {  	v60 =	vld [tilespmem:s24+$0x1B00]  }
0x111: {  	v0 =	vadd.f32 v58, v0  }
0x112: {  	v61 =	vld [tilespmem:s24+$0x1B80]  }
0x113: {  	v0 =	vadd.f32 v59, v0  }
0x114: {  	v62 =	vld [tilespmem:s24+$0x1C00]  }
0x115: {  	v0 =	vadd.f32 v60, v0  }
0x116: {  	v63 =	vld [tilespmem:s24+$0x1C80]  }
0x117: {  	v0 =	vadd.f32 v61, v0;
	_ =	sdelay $0x1  }
0x118: {  	v0 =	vadd.f32 v62, v0;
	_ =	sdelay $0x1  }
0x119: {  	s21 =	sadd.s32 $0x1, s21;
	v0 =	vadd.f32 v63, v0  }
0x11a: {  	p0 =	sne.s32 s21, s7  }
.Ltmp1:
0x11b: {  	[tilespmem:s24+$0x2000] =	vst v0;
	(pc) =	sbr.rel @p0 .LBB2_1-.Ltmp1, $4  }
0x11c: {  	[hbm4b:s6+s3] =	stream.linear.scatter [tilespmem:s20], [sflag:$0x2], $0x80, $0x38;
	[tilespmem:$0x2080] =	vst v63  }
0x11d: {  	_ =	swait.ge [sflag:s11], $0x80  }
0x11e: {  	[sflag:s11] =	ssyncset.done $0x0  }
0x11f: {  	[sflag:s11] =	ssyncadd.s32 $0xFFFFFF80  }
0x120: {  	_ =	sfence.sel $0x180000  }
0x121: {  	[bflag:$0x0] =	sbarrier.arrive $0xFFFF  }
0x122: {  	_ =	strace $0x90000047  }
0x123: {  	s0 =	stileid.u32;
	[bflag:$0x2] =	sbarrier.arrive $0xFFFF  }
0x124: {  	p0 =	sne.s32 s0, $0x0;
	s0 =	rddreg [dreg:$0x3]  }
0x125: {  	s0 =	sadd.s32 @!p0 $0x100000, s0  }
0x126: {  	[sflag:s0] =	ssyncadd.tile.s32 @!p0 $0x1;
	_ =	shalt  }
.Lfunc_end2:
_tile_overlayer_lowered:
.L_overlay_start_2:
0x127: {  	(tag) =	ssettag $0x2  }
0x128: {  	s0 =	rddreg [dreg:$0x0];
	s2 =	stileid.u32  }
0x129: {  	s1 =	rddreg [dreg:$0x1];
	p0 =	sne.s32 s2, $0x0  }
0x12a: {  	s3 =	rddreg [dreg:$0x2];
	[bflag:$0x3] =	sbarrier.arrive $0xFFFF;
	s2 =	simm.s32 @!p0 $0x1C02  }
0x12b: {  	[timem:s3], [sflag:s2] =	dma.local @!p0 [hbm:s0], s1  }
0x12c: {  	s0 =	simm.s32 @!p0 $0x2  }
0x12d: {  	_ =	swait.ge @!p0 [sflag:s0], s1  }
0x12e: {  	s1 =	ssub.s32 @!p0 $0x0, s1;
	[sflag:s0] =	ssyncset.done @!p0 $0x0  }
0x12f: {  	[sflag:s0] =	ssyncadd.s32 @!p0 s1  }
0x130: {  	[bflag:$0x3] =	sbarrier.arrive $0xFFFF  }
0x131: {  	_ =	shalt  }

</sc_bundles>
